<compile_context>
chip_gen: v7x
topology: tpu7x:2x2x1
jax: 0.10.2.dev20260603
libtpu: 0.0.44.dev20260713+nightly
codegen_flags: <defaults>
</compile_context>

<pallas_src>
import functools

import jax
import jax.numpy as jnp
from jax import lax
from jax.experimental import pallas as pl
from jax.experimental.pallas import tpu as pltpu
from jax.experimental.pallas import tpu_sc as plsc

VOCAB = 100000
EMB = 128
HID = 1024
MAXPOS = 4096
TYPES = 2
EPS = 1e-12

NC = 2
NS = 16
NW = NC * NS

GATHER_CHUNK = 128


def _sc_gather(table, input_ids, n_tokens):
    bsz, seq_len = input_ids.shape
    rows_per_w = n_tokens // NW
    n_chunks = rows_per_w // GATHER_CHUNK
    w_per_b = NW // bsz
    mesh = plsc.VectorSubcoreMesh(core_axis_name="c", subcore_axis_name="s")

    @functools.partial(
        pl.kernel,
        out_type=jax.ShapeDtypeStruct((n_tokens, EMB), jnp.float32),
        mesh=mesh,
        scratch_types=[
            pltpu.VMEM((n_chunks, GATHER_CHUNK), jnp.int32),
            pltpu.VMEM((rows_per_w, EMB), jnp.float32),
            pltpu.SemaphoreType.DMA,
            pltpu.SemaphoreType.DMA,
        ],
    )
    def gather_kernel(table_hbm, idx_hbm, out_hbm, idx_v, rows_v, gsem, wsem):
        wid = lax.axis_index("s") * NC + lax.axis_index("c")
        b = wid // w_per_b
        col0 = (wid % w_per_b) * rows_per_w
        for j in range(n_chunks):
            pltpu.sync_copy(
                idx_hbm.at[b, pl.ds(col0 + j * GATHER_CHUNK, GATHER_CHUNK)],
                idx_v.at[j],
            )
        gathers = []
        for j in range(n_chunks):
            gathers.append(
                pltpu.async_copy(
                    table_hbm.at[idx_v.at[j]],
                    rows_v.at[pl.ds(j * GATHER_CHUNK, GATHER_CHUNK)],
                    gsem,
                )
            )
        writes = []
        for j in range(n_chunks):
            gathers[j].wait()
            writes.append(
                pltpu.async_copy(
                    rows_v.at[pl.ds(j * GATHER_CHUNK, GATHER_CHUNK)],
                    out_hbm.at[pl.ds(wid * rows_per_w + j * GATHER_CHUNK,
                                     GATHER_CHUNK)],
                    wsem,
                )
            )
        for c in writes:
            c.wait()

    return gather_kernel(table, input_ids)


def _tc_body(x_ref, pos_ref, tt_ref, seg_ref, gamma_ref, beta_ref, w_ref,
             b_ref, o_ref):
    x = x_ref[...]
    pos = pos_ref[...]
    ttf = tt_ref[0].astype(jnp.float32)
    seg = seg_ref[...]
    d = (seg[1] - seg[0])[None, :]
    seg_term = lax.dot_general(
        ttf, d, (((0,), (0,)), ((), ())), preferred_element_type=jnp.float32)
    e = x + pos + seg[0][None, :] + seg_term
    inv = 1.0 / EMB
    s1 = jnp.sum(e, axis=1, keepdims=True)
    s2 = jnp.sum(e * e, axis=1, keepdims=True)
    m = s1 * inv
    var = s2 * inv - m * m
    y = (e - m) * lax.rsqrt(var + EPS) * gamma_ref[...] + beta_ref[...]
    o_ref[...] = lax.dot_general(
        y.astype(jnp.bfloat16), w_ref[...], (((1,), (1,)), ((), ())),
        preferred_element_type=jnp.float32,
    ) + b_ref[...]


def _tc_fused(gathered, pos_table, tt_ids, seg_table, gamma2, beta2, W_proj,
              b2, n_tokens, seq_len):
    tok_blk = 2048
    n_batch = n_tokens // seq_len
    blocks_per_seq = seq_len // tok_blk
    tt3 = tt_ids.reshape(n_tokens // tok_blk, 1, tok_blk)
    return pl.pallas_call(
        _tc_body,
        grid=(blocks_per_seq, n_batch),
        in_specs=[
            pl.BlockSpec((tok_blk, EMB),
                         lambda s, b: (b * blocks_per_seq + s, 0)),
            pl.BlockSpec((tok_blk, EMB), lambda s, b: (s, 0)),
            pl.BlockSpec((1, 1, tok_blk),
                         lambda s, b: (b * blocks_per_seq + s, 0, 0)),
            pl.BlockSpec((TYPES, EMB), lambda s, b: (0, 0)),
            pl.BlockSpec((1, EMB), lambda s, b: (0, 0)),
            pl.BlockSpec((1, EMB), lambda s, b: (0, 0)),
            pl.BlockSpec((HID, EMB), lambda s, b: (0, 0)),
            pl.BlockSpec((1, HID), lambda s, b: (0, 0)),
        ],
        out_specs=pl.BlockSpec((tok_blk, HID),
                               lambda s, b: (b * blocks_per_seq + s, 0)),
        out_shape=jax.ShapeDtypeStruct((n_tokens, HID), jnp.float32),
    )(gathered, pos_table, tt3, seg_table, gamma2, beta2, W_proj, b2)


def kernel(input_ids, token_type_ids, tok_table, pos_table, seg_table,
           ln_gamma, ln_beta, W_proj, b_proj):
    bsz, seq_len = input_ids.shape
    n_tokens = bsz * seq_len
    gathered = _sc_gather(tok_table, input_ids.astype(jnp.int32), n_tokens)
    out = _tc_fused(
        gathered, pos_table, token_type_ids.astype(jnp.int32), seg_table,
        ln_gamma.reshape(1, EMB), ln_beta.reshape(1, EMB),
        W_proj.astype(jnp.bfloat16), b_proj.reshape(1, HID),
        n_tokens, seq_len,
    )
    return out.reshape(bsz, seq_len, HID)

# --- scband reference (transcript-rebuilt; emitter-appended) ---
"""Pipeline reference for scband-albert-vembedding-72713796321700 (READ-ONLY COPY).

The authoritative reference and input builder live on the scoring server;
editing this copy changes nothing except your own understanding.
"""

import jax, jax.numpy as jnp
import numpy as np

VOCAB = 100000
EMB = 128
HID = 1024
MAXPOS = 4096
TYPES = 2
B = 4
S = 4096
PAD_IDX = 2
EPS = 1e-12


def setup_inputs(seed: int = 0) -> dict:
    key = jax.random.key(seed)
    ks = jax.random.split(key, 8)
    input_ids = jax.random.randint(ks[0], (B, S), 0, VOCAB, dtype=jnp.int64 if jax.config.jax_enable_x64 else jnp.int32)
    token_type_ids = jax.random.randint(ks[1], (B, S), 0, TYPES, dtype=jnp.int64 if jax.config.jax_enable_x64 else jnp.int32)
    tok_table = jax.random.normal(ks[2], (VOCAB, EMB), dtype=jnp.float32) * 0.02
    tok_table = tok_table.at[PAD_IDX].set(0.0)  # padding_idx row zeroed like torch
    pos_table = jax.random.normal(ks[3], (MAXPOS, EMB), dtype=jnp.float32) * 0.02
    seg_table = jax.random.normal(ks[4], (TYPES, EMB), dtype=jnp.float32) * 0.02
    ln_gamma = jnp.ones((EMB,), dtype=jnp.float32)
    ln_beta = jnp.zeros((EMB,), dtype=jnp.float32)
    W_proj = jax.random.normal(ks[5], (HID, EMB), dtype=jnp.float32) * 0.02
    b_proj = jnp.zeros((HID,), dtype=jnp.float32)
    return {
        "input_ids": input_ids,
        "token_type_ids": token_type_ids,
        "tok_table": tok_table,
        "pos_table": pos_table,
        "seg_table": seg_table,
        "ln_gamma": ln_gamma,
        "ln_beta": ln_beta,
        "W_proj": W_proj,
        "b_proj": b_proj,
    }


def reference(input_ids, token_type_ids, tok_table, pos_table, seg_table, ln_gamma, ln_beta, W_proj, b_proj):
    # token embedding lookup (gather)
    inputs_embeds = jnp.take(tok_table, input_ids, axis=0)  # [B, S, EMB]
    bsz, length = input_ids.shape
    # position ids auto-generated as in torch forward
    position_ids = jnp.broadcast_to(jnp.arange(length, dtype=input_ids.dtype), (bsz, length))
    position_embeddings = jnp.take(pos_table, position_ids, axis=0)  # [B, S, EMB]
    token_type_embeddings = jnp.take(seg_table, token_type_ids, axis=0)  # [B, S, EMB]
    embeddings = inputs_embeds + position_embeddings + token_type_embeddings
    # LayerNorm (eps=1e-12), biased variance like torch
    mean = jnp.mean(embeddings, axis=-1, keepdims=True)
    var = jnp.mean(jnp.square(embeddings - mean), axis=-1, keepdims=True)
    embeddings = (embeddings - mean) / jnp.sqrt(var + EPS) * ln_gamma + ln_beta
    # dropout p=0.0 -> identity
    # project_embedding_first = False and embedding_size != hidden_size -> project after norm
    out = jnp.einsum('bse,he->bsh', embeddings, W_proj) + b_proj  # [B, S, HID]
    return out

if __name__ == "__main__":
    import jax
    _d = setup_inputs()
    print(jax.jit(kernel)(*tuple(_d.values())))

</pallas_src>

<mosaic_0001>
#map = affine_map<(d0, d1) -> (0, 0)>
module attributes {stable_mosaic.version = 14 : i64} {
  func.func @gather_kernel(%arg0: i32, %arg1: i32, %arg2: memref<100000x128xf32, #tpu.memory_space<hbm>>, %arg3: memref<4x4096xi32, #tpu.memory_space<hbm>>, %arg4: memref<16384x128xf32, #tpu.memory_space<hbm>>, %arg5: memref<4x128xi32, #tpu.memory_space<vmem>>, %arg6: memref<512x128xf32, #tpu.memory_space<vmem>>, %arg7: memref<!tpu.dma_semaphore, #tpu.memory_space<semaphore_mem>>, %arg8: memref<!tpu.dma_semaphore, #tpu.memory_space<semaphore_mem>>) attributes {dimension_semantics = [#tpu.dimension_semantics<core_parallel>, #tpu.dimension_semantics<subcore_parallel>], iteration_bounds = array<i64: 2, 16>, scalar_prefetch = 0 : i64, scratch_operands = 4 : i64, tpu.core_type = #tpu.core_type<sc_vector_subcore>, window_params = [{transform_indices = #map}, {transform_indices = #map}, {transform_indices = #map}]} {
    %mul3A = arith.constant 2 : i32
    %mul3A_0 = arith.muli %arg1, %mul3A : i32
    %add3A = arith.addi %mul3A_0, %arg0 : i32
    %jit3A = arith.constant 8 : i32
    %div3A = arith.divsi %add3A, %jit3A : i32
    %sign3A = arith.constant 0 : i32
    %sign3A_1 = arith.cmpi sgt, %add3A, %sign3A : i32
    %sign3A_2 = arith.extui %sign3A_1 : i1 to i32
    %sign3A_3 = arith.constant 0 : i32
    %sign3A_4 = arith.cmpi slt, %add3A, %sign3A_3 : i32
    %sign3A_5 = arith.extui %sign3A_4 : i1 to i32
    %sign3A_6 = arith.subi %sign3A_2, %sign3A_5 : i32
    %sign3A_7 = arith.constant 0 : i32
    %sign3A_8 = arith.cmpi sgt, %jit3A, %sign3A_7 : i32
    %sign3A_9 = arith.extui %sign3A_8 : i1 to i32
    %sign3A_10 = arith.constant 0 : i32
    %sign3A_11 = arith.cmpi slt, %jit3A, %sign3A_10 : i32
    %sign3A_12 = arith.extui %sign3A_11 : i1 to i32
    %sign3A_13 = arith.subi %sign3A_9, %sign3A_12 : i32
    %ne3A = arith.cmpi ne, %sign3A_6, %sign3A_13 : i32
    %rem3A = arith.remsi %add3A, %jit3A : i32
    %ne3A_14 = arith.constant 0 : i32
    %ne3A_15 = arith.cmpi ne, %rem3A, %ne3A_14 : i32
    %and3A = arith.andi %ne3A, %ne3A_15 : i1
    %sub3A = arith.constant 1 : i32
    %sub3A_16 = arith.subi %div3A, %sub3A : i32
    %select_n3A = arith.select %and3A, %sub3A_16, %div3A : i32
    %jit3A_17 = arith.constant 8 : i32
    %eq3A = arith.constant 0 : i32
    %eq3A_18 = arith.cmpi eq, %jit3A_17, %eq3A : i32
    %jit3A_19 = arith.constant 1 : i32
    %select_n3A_20 = arith.select %eq3A_18, %jit3A_19, %jit3A_17 : i32
    %rem3A_21 = arith.remsi %add3A, %select_n3A_20 : i32
    %ne3A_22 = arith.constant 0 : i32
    %ne3A_23 = arith.cmpi ne, %rem3A_21, %ne3A_22 : i32
    %lt3A = arith.constant 0 : i32
    %lt3A_24 = arith.cmpi slt, %rem3A_21, %lt3A : i32
    %lt3A_25 = arith.constant 0 : i32
    %lt3A_26 = arith.cmpi slt, %select_n3A_20, %lt3A_25 : i32
    %ne3A_27 = arith.xori %lt3A_24, %lt3A_26 : i1
    %and3A_28 = arith.andi %ne3A_27, %ne3A_23 : i1
    %add3A_29 = arith.addi %rem3A_21, %select_n3A_20 : i32
    %select_n3A_30 = arith.select %and3A_28, %add3A_29, %rem3A_21 : i32
    %mul3A_31 = arith.constant 512 : i32
    %mul3A_32 = arith.muli %select_n3A_30, %mul3A_31 : i32
    %add3A_33 = arith.constant 0 : i32
    %add3A_34 = arith.addi %mul3A_32, %add3A_33 : i32
    %run_scoped3A = arith.constant 0 : i32
    "tpu.region"() ({
      %run_scoped3A_218 = tpu.sem_alloc : memref<!tpu.dma_semaphore, #tpu.memory_space<semaphore_mem>>
      %dma_start3A_219 = arith.constant 0 : i32
      %dma_start3A_220 = tpu.memref_slice %arg5[%run_scoped3A, %dma_start3A_219] : memref<4x128xi32, #tpu.memory_space<vmem>> -> memref<1x128xi32, #tpu.memory_space<vmem>>
      %dma_start3A_221 = tpu.memref_squeeze %dma_start3A_220 : memref<1x128xi32, #tpu.memory_space<vmem>> -> memref<128xi32, #tpu.memory_space<vmem>>
      %dma_start3A_222 = tpu.memref_slice %arg3[%select_n3A, %add3A_34] : memref<4x4096xi32, #tpu.memory_space<hbm>> -> memref<1x128xi32, #tpu.memory_space<hbm>>
      %dma_start3A_223 = tpu.memref_squeeze %dma_start3A_222 : memref<1x128xi32, #tpu.memory_space<hbm>> -> memref<128xi32, #tpu.memory_space<hbm>>
      %dma_start3A_224 = arith.constant 0 : i32
      %dma_start3A_225 = tpu.memref_slice %arg5[%run_scoped3A, %dma_start3A_224] : memref<4x128xi32, #tpu.memory_space<vmem>> -> memref<1x128xi32, #tpu.memory_space<vmem>>
      %dma_start3A_226 = tpu.memref_squeeze %dma_start3A_225 : memref<1x128xi32, #tpu.memory_space<vmem>> -> memref<128xi32, #tpu.memory_space<vmem>>
      %dma_start3A_227 = tpu.memref_slice %arg3[%select_n3A, %add3A_34] : memref<4x4096xi32, #tpu.memory_space<hbm>> -> memref<1x128xi32, #tpu.memory_space<hbm>>
      %dma_start3A_228 = tpu.memref_squeeze %dma_start3A_227 : memref<1x128xi32, #tpu.memory_space<hbm>> -> memref<128xi32, #tpu.memory_space<hbm>>
      tpu.enqueue_dma source(%dma_start3A_228 : memref<128xi32, #tpu.memory_space<hbm>>) target(%dma_start3A_226 : memref<128xi32, #tpu.memory_space<vmem>>) target_semaphore(%run_scoped3A_218 : memref<!tpu.dma_semaphore, #tpu.memory_space<semaphore_mem>>)
      %dma_wait3A_229 = arith.constant 0 : i32
      %dma_wait3A_230 = tpu.memref_slice %arg5[%run_scoped3A, %dma_wait3A_229] : memref<4x128xi32, #tpu.memory_space<vmem>> -> memref<1x128xi32, #tpu.memory_space<vmem>>
      %dma_wait3A_231 = tpu.memref_squeeze %dma_wait3A_230 : memref<1x128xi32, #tpu.memory_space<vmem>> -> memref<128xi32, #tpu.memory_space<vmem>>
      %dma_wait3A_232 = tpu.memref_slice %arg3[%select_n3A, %add3A_34] : memref<4x4096xi32, #tpu.memory_space<hbm>> -> memref<1x128xi32, #tpu.memory_space<hbm>>
      %dma_wait3A_233 = tpu.memref_squeeze %dma_wait3A_232 : memref<1x128xi32, #tpu.memory_space<hbm>> -> memref<128xi32, #tpu.memory_space<hbm>>
      %dma_wait3A_234 = arith.constant 0 : i32
      %dma_wait3A_235 = tpu.memref_slice %arg5[%run_scoped3A, %dma_wait3A_234] : memref<4x128xi32, #tpu.memory_space<vmem>> -> memref<1x128xi32, #tpu.memory_space<vmem>>
      %dma_wait3A_236 = tpu.memref_squeeze %dma_wait3A_235 : memref<1x128xi32, #tpu.memory_space<vmem>> -> memref<128xi32, #tpu.memory_space<vmem>>
      %dma_wait3A_237 = tpu.memref_slice %arg3[%select_n3A, %add3A_34] : memref<4x4096xi32, #tpu.memory_space<hbm>> -> memref<1x128xi32, #tpu.memory_space<hbm>>
      %dma_wait3A_238 = tpu.memref_squeeze %dma_wait3A_237 : memref<1x128xi32, #tpu.memory_space<hbm>> -> memref<128xi32, #tpu.memory_space<hbm>>
      tpu.wait_dma2 semaphore(%run_scoped3A_218 : memref<!tpu.dma_semaphore, #tpu.memory_space<semaphore_mem>>) src(%dma_wait3A_238 : memref<128xi32, #tpu.memory_space<hbm>>) dst(%dma_wait3A_236 : memref<128xi32, #tpu.memory_space<vmem>>)
      tpu.yield
    }) : () -> ()
    %add3A_35 = arith.constant 128 : i32
    %add3A_36 = arith.addi %mul3A_32, %add3A_35 : i32
    %run_scoped3A_37 = arith.constant 1 : i32
    "tpu.region"() ({
      %run_scoped3A_218 = tpu.sem_alloc : memref<!tpu.dma_semaphore, #tpu.memory_space<semaphore_mem>>
      %dma_start3A_219 = arith.constant 0 : i32
      %dma_start3A_220 = tpu.memref_slice %arg5[%run_scoped3A_37, %dma_start3A_219] : memref<4x128xi32, #tpu.memory_space<vmem>> -> memref<1x128xi32, #tpu.memory_space<vmem>>
      %dma_start3A_221 = tpu.memref_squeeze %dma_start3A_220 : memref<1x128xi32, #tpu.memory_space<vmem>> -> memref<128xi32, #tpu.memory_space<vmem>>
      %dma_start3A_222 = tpu.memref_slice %arg3[%select_n3A, %add3A_36] : memref<4x4096xi32, #tpu.memory_space<hbm>> -> memref<1x128xi32, #tpu.memory_space<hbm>>
      %dma_start3A_223 = tpu.memref_squeeze %dma_start3A_222 : memref<1x128xi32, #tpu.memory_space<hbm>> -> memref<128xi32, #tpu.memory_space<hbm>>
      %dma_start3A_224 = arith.constant 0 : i32
      %dma_start3A_225 = tpu.memref_slice %arg5[%run_scoped3A_37, %dma_start3A_224] : memref<4x128xi32, #tpu.memory_space<vmem>> -> memref<1x128xi32, #tpu.memory_space<vmem>>
      %dma_start3A_226 = tpu.memref_squeeze %dma_start3A_225 : memref<1x128xi32, #tpu.memory_space<vmem>> -> memref<128xi32, #tpu.memory_space<vmem>>
      %dma_start3A_227 = tpu.memref_slice %arg3[%select_n3A, %add3A_36] : memref<4x4096xi32, #tpu.memory_space<hbm>> -> memref<1x128xi32, #tpu.memory_space<hbm>>
      %dma_start3A_228 = tpu.memref_squeeze %dma_start3A_227 : memref<1x128xi32, #tpu.memory_space<hbm>> -> memref<128xi32, #tpu.memory_space<hbm>>
      tpu.enqueue_dma source(%dma_start3A_228 : memref<128xi32, #tpu.memory_space<hbm>>) target(%dma_start3A_226 : memref<128xi32, #tpu.memory_space<vmem>>) target_semaphore(%run_scoped3A_218 : memref<!tpu.dma_semaphore, #tpu.memory_space<semaphore_mem>>)
      %dma_wait3A_229 = arith.constant 0 : i32
      %dma_wait3A_230 = tpu.memref_slice %arg5[%run_scoped3A_37, %dma_wait3A_229] : memref<4x128xi32, #tpu.memory_space<vmem>> -> memref<1x128xi32, #tpu.memory_space<vmem>>
      %dma_wait3A_231 = tpu.memref_squeeze %dma_wait3A_230 : memref<1x128xi32, #tpu.memory_space<vmem>> -> memref<128xi32, #tpu.memory_space<vmem>>
      %dma_wait3A_232 = tpu.memref_slice %arg3[%select_n3A, %add3A_36] : memref<4x4096xi32, #tpu.memory_space<hbm>> -> memref<1x128xi32, #tpu.memory_space<hbm>>
      %dma_wait3A_233 = tpu.memref_squeeze %dma_wait3A_232 : memref<1x128xi32, #tpu.memory_space<hbm>> -> memref<128xi32, #tpu.memory_space<hbm>>
      %dma_wait3A_234 = arith.constant 0 : i32
      %dma_wait3A_235 = tpu.memref_slice %arg5[%run_scoped3A_37, %dma_wait3A_234] : memref<4x128xi32, #tpu.memory_space<vmem>> -> memref<1x128xi32, #tpu.memory_space<vmem>>
      %dma_wait3A_236 = tpu.memref_squeeze %dma_wait3A_235 : memref<1x128xi32, #tpu.memory_space<vmem>> -> memref<128xi32, #tpu.memory_space<vmem>>
      %dma_wait3A_237 = tpu.memref_slice %arg3[%select_n3A, %add3A_36] : memref<4x4096xi32, #tpu.memory_space<hbm>> -> memref<1x128xi32, #tpu.memory_space<hbm>>
      %dma_wait3A_238 = tpu.memref_squeeze %dma_wait3A_237 : memref<1x128xi32, #tpu.memory_space<hbm>> -> memref<128xi32, #tpu.memory_space<hbm>>
      tpu.wait_dma2 semaphore(%run_scoped3A_218 : memref<!tpu.dma_semaphore, #tpu.memory_space<semaphore_mem>>) src(%dma_wait3A_238 : memref<128xi32, #tpu.memory_space<hbm>>) dst(%dma_wait3A_236 : memref<128xi32, #tpu.memory_space<vmem>>)
      tpu.yield
    }) : () -> ()
    %add3A_38 = arith.constant 256 : i32
    %add3A_39 = arith.addi %mul3A_32, %add3A_38 : i32
    %run_scoped3A_40 = arith.constant 2 : i32
    "tpu.region"() ({
      %run_scoped3A_218 = tpu.sem_alloc : memref<!tpu.dma_semaphore, #tpu.memory_space<semaphore_mem>>
      %dma_start3A_219 = arith.constant 0 : i32
      %dma_start3A_220 = tpu.memref_slice %arg5[%run_scoped3A_40, %dma_start3A_219] : memref<4x128xi32, #tpu.memory_space<vmem>> -> memref<1x128xi32, #tpu.memory_space<vmem>>
      %dma_start3A_221 = tpu.memref_squeeze %dma_start3A_220 : memref<1x128xi32, #tpu.memory_space<vmem>> -> memref<128xi32, #tpu.memory_space<vmem>>
      %dma_start3A_222 = tpu.memref_slice %arg3[%select_n3A, %add3A_39] : memref<4x4096xi32, #tpu.memory_space<hbm>> -> memref<1x128xi32, #tpu.memory_space<hbm>>
      %dma_start3A_223 = tpu.memref_squeeze %dma_start3A_222 : memref<1x128xi32, #tpu.memory_space<hbm>> -> memref<128xi32, #tpu.memory_space<hbm>>
      %dma_start3A_224 = arith.constant 0 : i32
      %dma_start3A_225 = tpu.memref_slice %arg5[%run_scoped3A_40, %dma_start3A_224] : memref<4x128xi32, #tpu.memory_space<vmem>> -> memref<1x128xi32, #tpu.memory_space<vmem>>
      %dma_start3A_226 = tpu.memref_squeeze %dma_start3A_225 : memref<1x128xi32, #tpu.memory_space<vmem>> -> memref<128xi32, #tpu.memory_space<vmem>>
      %dma_start3A_227 = tpu.memref_slice %arg3[%select_n3A, %add3A_39] : memref<4x4096xi32, #tpu.memory_space<hbm>> -> memref<1x128xi32, #tpu.memory_space<hbm>>
      %dma_start3A_228 = tpu.memref_squeeze %dma_start3A_227 : memref<1x128xi32, #tpu.memory_space<hbm>> -> memref<128xi32, #tpu.memory_space<hbm>>
      tpu.enqueue_dma source(%dma_start3A_228 : memref<128xi32, #tpu.memory_space<hbm>>) target(%dma_start3A_226 : memref<128xi32, #tpu.memory_space<vmem>>) target_semaphore(%run_scoped3A_218 : memref<!tpu.dma_semaphore, #tpu.memory_space<semaphore_mem>>)
      %dma_wait3A_229 = arith.constant 0 : i32
      %dma_wait3A_230 = tpu.memref_slice %arg5[%run_scoped3A_40, %dma_wait3A_229] : memref<4x128xi32, #tpu.memory_space<vmem>> -> memref<1x128xi32, #tpu.memory_space<vmem>>
      %dma_wait3A_231 = tpu.memref_squeeze %dma_wait3A_230 : memref<1x128xi32, #tpu.memory_space<vmem>> -> memref<128xi32, #tpu.memory_space<vmem>>
      %dma_wait3A_232 = tpu.memref_slice %arg3[%select_n3A, %add3A_39] : memref<4x4096xi32, #tpu.memory_space<hbm>> -> memref<1x128xi32, #tpu.memory_space<hbm>>
      %dma_wait3A_233 = tpu.memref_squeeze %dma_wait3A_232 : memref<1x128xi32, #tpu.memory_space<hbm>> -> memref<128xi32, #tpu.memory_space<hbm>>
      %dma_wait3A_234 = arith.constant 0 : i32
      %dma_wait3A_235 = tpu.memref_slice %arg5[%run_scoped3A_40, %dma_wait3A_234] : memref<4x128xi32, #tpu.memory_space<vmem>> -> memref<1x128xi32, #tpu.memory_space<vmem>>
      %dma_wait3A_236 = tpu.memref_squeeze %dma_wait3A_235 : memref<1x128xi32, #tpu.memory_space<vmem>> -> memref<128xi32, #tpu.memory_space<vmem>>
      %dma_wait3A_237 = tpu.memref_slice %arg3[%select_n3A, %add3A_39] : memref<4x4096xi32, #tpu.memory_space<hbm>> -> memref<1x128xi32, #tpu.memory_space<hbm>>
      %dma_wait3A_238 = tpu.memref_squeeze %dma_wait3A_237 : memref<1x128xi32, #tpu.memory_space<hbm>> -> memref<128xi32, #tpu.memory_space<hbm>>
      tpu.wait_dma2 semaphore(%run_scoped3A_218 : memref<!tpu.dma_semaphore, #tpu.memory_space<semaphore_mem>>) src(%dma_wait3A_238 : memref<128xi32, #tpu.memory_space<hbm>>) dst(%dma_wait3A_236 : memref<128xi32, #tpu.memory_space<vmem>>)
      tpu.yield
    }) : () -> ()
    %add3A_41 = arith.constant 384 : i32
    %add3A_42 = arith.addi %mul3A_32, %add3A_41 : i32
    %run_scoped3A_43 = arith.constant 3 : i32
    "tpu.region"() ({
      %run_scoped3A_218 = tpu.sem_alloc : memref<!tpu.dma_semaphore, #tpu.memory_space<semaphore_mem>>
      %dma_start3A_219 = arith.constant 0 : i32
      %dma_start3A_220 = tpu.memref_slice %arg5[%run_scoped3A_43, %dma_start3A_219] : memref<4x128xi32, #tpu.memory_space<vmem>> -> memref<1x128xi32, #tpu.memory_space<vmem>>
      %dma_start3A_221 = tpu.memref_squeeze %dma_start3A_220 : memref<1x128xi32, #tpu.memory_space<vmem>> -> memref<128xi32, #tpu.memory_space<vmem>>
      %dma_start3A_222 = tpu.memref_slice %arg3[%select_n3A, %add3A_42] : memref<4x4096xi32, #tpu.memory_space<hbm>> -> memref<1x128xi32, #tpu.memory_space<hbm>>
      %dma_start3A_223 = tpu.memref_squeeze %dma_start3A_222 : memref<1x128xi32, #tpu.memory_space<hbm>> -> memref<128xi32, #tpu.memory_space<hbm>>
      %dma_start3A_224 = arith.constant 0 : i32
      %dma_start3A_225 = tpu.memref_slice %arg5[%run_scoped3A_43, %dma_start3A_224] : memref<4x128xi32, #tpu.memory_space<vmem>> -> memref<1x128xi32, #tpu.memory_space<vmem>>
      %dma_start3A_226 = tpu.memref_squeeze %dma_start3A_225 : memref<1x128xi32, #tpu.memory_space<vmem>> -> memref<128xi32, #tpu.memory_space<vmem>>
      %dma_start3A_227 = tpu.memref_slice %arg3[%select_n3A, %add3A_42] : memref<4x4096xi32, #tpu.memory_space<hbm>> -> memref<1x128xi32, #tpu.memory_space<hbm>>
      %dma_start3A_228 = tpu.memref_squeeze %dma_start3A_227 : memref<1x128xi32, #tpu.memory_space<hbm>> -> memref<128xi32, #tpu.memory_space<hbm>>
      tpu.enqueue_dma source(%dma_start3A_228 : memref<128xi32, #tpu.memory_space<hbm>>) target(%dma_start3A_226 : memref<128xi32, #tpu.memory_space<vmem>>) target_semaphore(%run_scoped3A_218 : memref<!tpu.dma_semaphore, #tpu.memory_space<semaphore_mem>>)
      %dma_wait3A_229 = arith.constant 0 : i32
      %dma_wait3A_230 = tpu.memref_slice %arg5[%run_scoped3A_43, %dma_wait3A_229] : memref<4x128xi32, #tpu.memory_space<vmem>> -> memref<1x128xi32, #tpu.memory_space<vmem>>
      %dma_wait3A_231 = tpu.memref_squeeze %dma_wait3A_230 : memref<1x128xi32, #tpu.memory_space<vmem>> -> memref<128xi32, #tpu.memory_space<vmem>>
      %dma_wait3A_232 = tpu.memref_slice %arg3[%select_n3A, %add3A_42] : memref<4x4096xi32, #tpu.memory_space<hbm>> -> memref<1x128xi32, #tpu.memory_space<hbm>>
      %dma_wait3A_233 = tpu.memref_squeeze %dma_wait3A_232 : memref<1x128xi32, #tpu.memory_space<hbm>> -> memref<128xi32, #tpu.memory_space<hbm>>
      %dma_wait3A_234 = arith.constant 0 : i32
      %dma_wait3A_235 = tpu.memref_slice %arg5[%run_scoped3A_43, %dma_wait3A_234] : memref<4x128xi32, #tpu.memory_space<vmem>> -> memref<1x128xi32, #tpu.memory_space<vmem>>
      %dma_wait3A_236 = tpu.memref_squeeze %dma_wait3A_235 : memref<1x128xi32, #tpu.memory_space<vmem>> -> memref<128xi32, #tpu.memory_space<vmem>>
      %dma_wait3A_237 = tpu.memref_slice %arg3[%select_n3A, %add3A_42] : memref<4x4096xi32, #tpu.memory_space<hbm>> -> memref<1x128xi32, #tpu.memory_space<hbm>>
      %dma_wait3A_238 = tpu.memref_squeeze %dma_wait3A_237 : memref<1x128xi32, #tpu.memory_space<hbm>> -> memref<128xi32, #tpu.memory_space<hbm>>
      tpu.wait_dma2 semaphore(%run_scoped3A_218 : memref<!tpu.dma_semaphore, #tpu.memory_space<semaphore_mem>>) src(%dma_wait3A_238 : memref<128xi32, #tpu.memory_space<hbm>>) dst(%dma_wait3A_236 : memref<128xi32, #tpu.memory_space<vmem>>)
      tpu.yield
    }) : () -> ()
    %dma_start3A = arith.constant 0 : i32
    %dma_start3A_44 = arith.constant 0 : i32
    %dma_start3A_45 = arith.constant 0 : i32
    %dma_start3A_46 = tpu.memref_slice %arg6[%dma_start3A_44, %dma_start3A_45] : memref<512x128xf32, #tpu.memory_space<vmem>> -> memref<128x128xf32, #tpu.memory_space<vmem>>
    %dma_start3A_47 = arith.constant 0 : i32
    %dma_start3A_48 = tpu.memref_slice %arg5[%dma_start3A, %dma_start3A_47] : memref<4x128xi32, #tpu.memory_space<vmem>> -> memref<1x128xi32, #tpu.memory_space<vmem>>
    %dma_start3A_49 = tpu.memref_squeeze %dma_start3A_48 : memref<1x128xi32, #tpu.memory_space<vmem>> -> memref<128xi32, #tpu.memory_space<vmem>>
    %dma_start3A_50 = arith.constant 0 : i32
    %dma_start3A_51 = arith.constant 0 : i32
    %dma_start3A_52 = tpu.memref_slice %arg2[%dma_start3A_50, %dma_start3A_51] : memref<100000x128xf32, #tpu.memory_space<hbm>> -> memref<100000x128xf32, #tpu.memory_space<hbm>>
    tpu.enqueue_indirect_dma source(%dma_start3A_52 : memref<100000x128xf32, #tpu.memory_space<hbm>>) target(%dma_start3A_46 : memref<128x128xf32, #tpu.memory_space<vmem>>) offsets(%dma_start3A_49 : memref<128xi32, #tpu.memory_space<vmem>>) semaphore(%arg7 : memref<!tpu.dma_semaphore, #tpu.memory_space<semaphore_mem>>)
    %dma_start3A_53 = arith.constant 1 : i32
    %dma_start3A_54 = arith.constant 128 : i32
    %dma_start3A_55 = arith.constant 0 : i32
    %dma_start3A_56 = tpu.memref_slice %arg6[%dma_start3A_54, %dma_start3A_55] : memref<512x128xf32, #tpu.memory_space<vmem>> -> memref<128x128xf32, #tpu.memory_space<vmem>>
    %dma_start3A_57 = arith.constant 0 : i32
    %dma_start3A_58 = tpu.memref_slice %arg5[%dma_start3A_53, %dma_start3A_57] : memref<4x128xi32, #tpu.memory_space<vmem>> -> memref<1x128xi32, #tpu.memory_space<vmem>>
    %dma_start3A_59 = tpu.memref_squeeze %dma_start3A_58 : memref<1x128xi32, #tpu.memory_space<vmem>> -> memref<128xi32, #tpu.memory_space<vmem>>
    %dma_start3A_60 = arith.constant 0 : i32
    %dma_start3A_61 = arith.constant 0 : i32
    %dma_start3A_62 = tpu.memref_slice %arg2[%dma_start3A_60, %dma_start3A_61] : memref<100000x128xf32, #tpu.memory_space<hbm>> -> memref<100000x128xf32, #tpu.memory_space<hbm>>
    tpu.enqueue_indirect_dma source(%dma_start3A_62 : memref<100000x128xf32, #tpu.memory_space<hbm>>) target(%dma_start3A_56 : memref<128x128xf32, #tpu.memory_space<vmem>>) offsets(%dma_start3A_59 : memref<128xi32, #tpu.memory_space<vmem>>) semaphore(%arg7 : memref<!tpu.dma_semaphore, #tpu.memory_space<semaphore_mem>>)
    %dma_start3A_63 = arith.constant 2 : i32
    %dma_start3A_64 = arith.constant 256 : i32
    %dma_start3A_65 = arith.constant 0 : i32
    %dma_start3A_66 = tpu.memref_slice %arg6[%dma_start3A_64, %dma_start3A_65] : memref<512x128xf32, #tpu.memory_space<vmem>> -> memref<128x128xf32, #tpu.memory_space<vmem>>
    %dma_start3A_67 = arith.constant 0 : i32
    %dma_start3A_68 = tpu.memref_slice %arg5[%dma_start3A_63, %dma_start3A_67] : memref<4x128xi32, #tpu.memory_space<vmem>> -> memref<1x128xi32, #tpu.memory_space<vmem>>
    %dma_start3A_69 = tpu.memref_squeeze %dma_start3A_68 : memref<1x128xi32, #tpu.memory_space<vmem>> -> memref<128xi32, #tpu.memory_space<vmem>>
    %dma_start3A_70 = arith.constant 0 : i32
    %dma_start3A_71 = arith.constant 0 : i32
    %dma_start3A_72 = tpu.memref_slice %arg2[%dma_start3A_70, %dma_start3A_71] : memref<100000x128xf32, #tpu.memory_space<hbm>> -> memref<100000x128xf32, #tpu.memory_space<hbm>>
    tpu.enqueue_indirect_dma source(%dma_start3A_72 : memref<100000x128xf32, #tpu.memory_space<hbm>>) target(%dma_start3A_66 : memref<128x128xf32, #tpu.memory_space<vmem>>) offsets(%dma_start3A_69 : memref<128xi32, #tpu.memory_space<vmem>>) semaphore(%arg7 : memref<!tpu.dma_semaphore, #tpu.memory_space<semaphore_mem>>)
    %dma_start3A_73 = arith.constant 3 : i32
    %dma_start3A_74 = arith.constant 384 : i32
    %dma_start3A_75 = arith.constant 0 : i32
    %dma_start3A_76 = tpu.memref_slice %arg6[%dma_start3A_74, %dma_start3A_75] : memref<512x128xf32, #tpu.memory_space<vmem>> -> memref<128x128xf32, #tpu.memory_space<vmem>>
    %dma_start3A_77 = arith.constant 0 : i32
    %dma_start3A_78 = tpu.memref_slice %arg5[%dma_start3A_73, %dma_start3A_77] : memref<4x128xi32, #tpu.memory_space<vmem>> -> memref<1x128xi32, #tpu.memory_space<vmem>>
    %dma_start3A_79 = tpu.memref_squeeze %dma_start3A_78 : memref<1x128xi32, #tpu.memory_space<vmem>> -> memref<128xi32, #tpu.memory_space<vmem>>
    %dma_start3A_80 = arith.constant 0 : i32
    %dma_start3A_81 = arith.constant 0 : i32
    %dma_start3A_82 = tpu.memref_slice %arg2[%dma_start3A_80, %dma_start3A_81] : memref<100000x128xf32, #tpu.memory_space<hbm>> -> memref<100000x128xf32, #tpu.memory_space<hbm>>
    tpu.enqueue_indirect_dma source(%dma_start3A_82 : memref<100000x128xf32, #tpu.memory_space<hbm>>) target(%dma_start3A_76 : memref<128x128xf32, #tpu.memory_space<vmem>>) offsets(%dma_start3A_79 : memref<128xi32, #tpu.memory_space<vmem>>) semaphore(%arg7 : memref<!tpu.dma_semaphore, #tpu.memory_space<semaphore_mem>>)
    %dma_wait3A = arith.constant 0 : i32
    %dma_wait3A_83 = arith.constant 0 : i32
    %dma_wait3A_84 = arith.constant 0 : i32
    %dma_wait3A_85 = tpu.memref_slice %arg6[%dma_wait3A_83, %dma_wait3A_84] : memref<512x128xf32, #tpu.memory_space<vmem>> -> memref<128x128xf32, #tpu.memory_space<vmem>>
    %dma_wait3A_86 = arith.constant 0 : i32
    %dma_wait3A_87 = tpu.memref_slice %arg5[%dma_wait3A, %dma_wait3A_86] : memref<4x128xi32, #tpu.memory_space<vmem>> -> memref<1x128xi32, #tpu.memory_space<vmem>>
    %dma_wait3A_88 = tpu.memref_squeeze %dma_wait3A_87 : memref<1x128xi32, #tpu.memory_space<vmem>> -> memref<128xi32, #tpu.memory_space<vmem>>
    %dma_wait3A_89 = arith.constant 0 : i32
    %dma_wait3A_90 = arith.constant 0 : i32
    %dma_wait3A_91 = tpu.memref_slice %arg2[%dma_wait3A_89, %dma_wait3A_90] : memref<100000x128xf32, #tpu.memory_space<hbm>> -> memref<100000x128xf32, #tpu.memory_space<hbm>>
    tpu.wait_indirect_dma semaphore(%arg7 : memref<!tpu.dma_semaphore, #tpu.memory_space<semaphore_mem>>) src(%dma_wait3A_91 : memref<100000x128xf32, #tpu.memory_space<hbm>>) dst(%dma_wait3A_85 : memref<128x128xf32, #tpu.memory_space<vmem>>)
    %mul3A_92 = arith.constant 512 : i32
    %mul3A_93 = arith.muli %add3A, %mul3A_92 : i32
    %add3A_94 = arith.constant 0 : i32
    %add3A_95 = arith.addi %mul3A_93, %add3A_94 : i32
    %dma_start3A_96 = arith.constant 0 : i32
    %dma_start3A_97 = arith.constant 0 : i32
    %dma_start3A_98 = tpu.memref_slice %arg6[%dma_start3A_96, %dma_start3A_97] : memref<512x128xf32, #tpu.memory_space<vmem>> -> memref<128x128xf32, #tpu.memory_space<vmem>>
    %dma_start3A_99 = arith.constant 0 : i32
    %dma_start3A_100 = tpu.memref_slice %arg4[%add3A_95, %dma_start3A_99] : memref<16384x128xf32, #tpu.memory_space<hbm>> -> memref<128x128xf32, #tpu.memory_space<hbm>>
    %dma_start3A_101 = arith.constant 0 : i32
    %dma_start3A_102 = tpu.memref_slice %arg4[%add3A_95, %dma_start3A_101] : memref<16384x128xf32, #tpu.memory_space<hbm>> -> memref<128x128xf32, #tpu.memory_space<hbm>>
    %dma_start3A_103 = arith.constant 0 : i32
    %dma_start3A_104 = arith.constant 0 : i32
    %dma_start3A_105 = tpu.memref_slice %arg6[%dma_start3A_103, %dma_start3A_104] : memref<512x128xf32, #tpu.memory_space<vmem>> -> memref<128x128xf32, #tpu.memory_space<vmem>>
    tpu.enqueue_dma source(%dma_start3A_105 : memref<128x128xf32, #tpu.memory_space<vmem>>) target(%dma_start3A_102 : memref<128x128xf32, #tpu.memory_space<hbm>>) target_semaphore(%arg8 : memref<!tpu.dma_semaphore, #tpu.memory_space<semaphore_mem>>)
    %dma_wait3A_106 = arith.constant 1 : i32
    %dma_wait3A_107 = arith.constant 128 : i32
    %dma_wait3A_108 = arith.constant 0 : i32
    %dma_wait3A_109 = tpu.memref_slice %arg6[%dma_wait3A_107, %dma_wait3A_108] : memref<512x128xf32, #tpu.memory_space<vmem>> -> memref<128x128xf32, #tpu.memory_space<vmem>>
    %dma_wait3A_110 = arith.constant 0 : i32
    %dma_wait3A_111 = tpu.memref_slice %arg5[%dma_wait3A_106, %dma_wait3A_110] : memref<4x128xi32, #tpu.memory_space<vmem>> -> memref<1x128xi32, #tpu.memory_space<vmem>>
    %dma_wait3A_112 = tpu.memref_squeeze %dma_wait3A_111 : memref<1x128xi32, #tpu.memory_space<vmem>> -> memref<128xi32, #tpu.memory_space<vmem>>
    %dma_wait3A_113 = arith.constant 0 : i32
    %dma_wait3A_114 = arith.constant 0 : i32
    %dma_wait3A_115 = tpu.memref_slice %arg2[%dma_wait3A_113, %dma_wait3A_114] : memref<100000x128xf32, #tpu.memory_space<hbm>> -> memref<100000x128xf32, #tpu.memory_space<hbm>>
    tpu.wait_indirect_dma semaphore(%arg7 : memref<!tpu.dma_semaphore, #tpu.memory_space<semaphore_mem>>) src(%dma_wait3A_115 : memref<100000x128xf32, #tpu.memory_space<hbm>>) dst(%dma_wait3A_109 : memref<128x128xf32, #tpu.memory_space<vmem>>)
    %mul3A_116 = arith.constant 512 : i32
    %mul3A_117 = arith.muli %add3A, %mul3A_116 : i32
    %add3A_118 = arith.constant 128 : i32
    %add3A_119 = arith.addi %mul3A_117, %add3A_118 : i32
    %dma_start3A_120 = arith.constant 128 : i32
    %dma_start3A_121 = arith.constant 0 : i32
    %dma_start3A_122 = tpu.memref_slice %arg6[%dma_start3A_120, %dma_start3A_121] : memref<512x128xf32, #tpu.memory_space<vmem>> -> memref<128x128xf32, #tpu.memory_space<vmem>>
    %dma_start3A_123 = arith.constant 0 : i32
    %dma_start3A_124 = tpu.memref_slice %arg4[%add3A_119, %dma_start3A_123] : memref<16384x128xf32, #tpu.memory_space<hbm>> -> memref<128x128xf32, #tpu.memory_space<hbm>>
    %dma_start3A_125 = arith.constant 0 : i32
    %dma_start3A_126 = tpu.memref_slice %arg4[%add3A_119, %dma_start3A_125] : memref<16384x128xf32, #tpu.memory_space<hbm>> -> memref<128x128xf32, #tpu.memory_space<hbm>>
    %dma_start3A_127 = arith.constant 128 : i32
    %dma_start3A_128 = arith.constant 0 : i32
    %dma_start3A_129 = tpu.memref_slice %arg6[%dma_start3A_127, %dma_start3A_128] : memref<512x128xf32, #tpu.memory_space<vmem>> -> memref<128x128xf32, #tpu.memory_space<vmem>>
    tpu.enqueue_dma source(%dma_start3A_129 : memref<128x128xf32, #tpu.memory_space<vmem>>) target(%dma_start3A_126 : memref<128x128xf32, #tpu.memory_space<hbm>>) target_semaphore(%arg8 : memref<!tpu.dma_semaphore, #tpu.memory_space<semaphore_mem>>)
    %dma_wait3A_130 = arith.constant 2 : i32
    %dma_wait3A_131 = arith.constant 256 : i32
    %dma_wait3A_132 = arith.constant 0 : i32
    %dma_wait3A_133 = tpu.memref_slice %arg6[%dma_wait3A_131, %dma_wait3A_132] : memref<512x128xf32, #tpu.memory_space<vmem>> -> memref<128x128xf32, #tpu.memory_space<vmem>>
    %dma_wait3A_134 = arith.constant 0 : i32
    %dma_wait3A_135 = tpu.memref_slice %arg5[%dma_wait3A_130, %dma_wait3A_134] : memref<4x128xi32, #tpu.memory_space<vmem>> -> memref<1x128xi32, #tpu.memory_space<vmem>>
    %dma_wait3A_136 = tpu.memref_squeeze %dma_wait3A_135 : memref<1x128xi32, #tpu.memory_space<vmem>> -> memref<128xi32, #tpu.memory_space<vmem>>
    %dma_wait3A_137 = arith.constant 0 : i32
    %dma_wait3A_138 = arith.constant 0 : i32
    %dma_wait3A_139 = tpu.memref_slice %arg2[%dma_wait3A_137, %dma_wait3A_138] : memref<100000x128xf32, #tpu.memory_space<hbm>> -> memref<100000x128xf32, #tpu.memory_space<hbm>>
    tpu.wait_indirect_dma semaphore(%arg7 : memref<!tpu.dma_semaphore, #tpu.memory_space<semaphore_mem>>) src(%dma_wait3A_139 : memref<100000x128xf32, #tpu.memory_space<hbm>>) dst(%dma_wait3A_133 : memref<128x128xf32, #tpu.memory_space<vmem>>)
    %mul3A_140 = arith.constant 512 : i32
    %mul3A_141 = arith.muli %add3A, %mul3A_140 : i32
    %add3A_142 = arith.constant 256 : i32
    %add3A_143 = arith.addi %mul3A_141, %add3A_142 : i32
    %dma_start3A_144 = arith.constant 256 : i32
    %dma_start3A_145 = arith.constant 0 : i32
    %dma_start3A_146 = tpu.memref_slice %arg6[%dma_start3A_144, %dma_start3A_145] : memref<512x128xf32, #tpu.memory_space<vmem>> -> memref<128x128xf32, #tpu.memory_space<vmem>>
    %dma_start3A_147 = arith.constant 0 : i32
    %dma_start3A_148 = tpu.memref_slice %arg4[%add3A_143, %dma_start3A_147] : memref<16384x128xf32, #tpu.memory_space<hbm>> -> memref<128x128xf32, #tpu.memory_space<hbm>>
    %dma_start3A_149 = arith.constant 0 : i32
    %dma_start3A_150 = tpu.memref_slice %arg4[%add3A_143, %dma_start3A_149] : memref<16384x128xf32, #tpu.memory_space<hbm>> -> memref<128x128xf32, #tpu.memory_space<hbm>>
    %dma_start3A_151 = arith.constant 256 : i32
    %dma_start3A_152 = arith.constant 0 : i32
    %dma_start3A_153 = tpu.memref_slice %arg6[%dma_start3A_151, %dma_start3A_152] : memref<512x128xf32, #tpu.memory_space<vmem>> -> memref<128x128xf32, #tpu.memory_space<vmem>>
    tpu.enqueue_dma source(%dma_start3A_153 : memref<128x128xf32, #tpu.memory_space<vmem>>) target(%dma_start3A_150 : memref<128x128xf32, #tpu.memory_space<hbm>>) target_semaphore(%arg8 : memref<!tpu.dma_semaphore, #tpu.memory_space<semaphore_mem>>)
    %dma_wait3A_154 = arith.constant 3 : i32
    %dma_wait3A_155 = arith.constant 384 : i32
    %dma_wait3A_156 = arith.constant 0 : i32
    %dma_wait3A_157 = tpu.memref_slice %arg6[%dma_wait3A_155, %dma_wait3A_156] : memref<512x128xf32, #tpu.memory_space<vmem>> -> memref<128x128xf32, #tpu.memory_space<vmem>>
    %dma_wait3A_158 = arith.constant 0 : i32
    %dma_wait3A_159 = tpu.memref_slice %arg5[%dma_wait3A_154, %dma_wait3A_158] : memref<4x128xi32, #tpu.memory_space<vmem>> -> memref<1x128xi32, #tpu.memory_space<vmem>>
    %dma_wait3A_160 = tpu.memref_squeeze %dma_wait3A_159 : memref<1x128xi32, #tpu.memory_space<vmem>> -> memref<128xi32, #tpu.memory_space<vmem>>
    %dma_wait3A_161 = arith.constant 0 : i32
    %dma_wait3A_162 = arith.constant 0 : i32
    %dma_wait3A_163 = tpu.memref_slice %arg2[%dma_wait3A_161, %dma_wait3A_162] : memref<100000x128xf32, #tpu.memory_space<hbm>> -> memref<100000x128xf32, #tpu.memory_space<hbm>>
    tpu.wait_indirect_dma semaphore(%arg7 : memref<!tpu.dma_semaphore, #tpu.memory_space<semaphore_mem>>) src(%dma_wait3A_163 : memref<100000x128xf32, #tpu.memory_space<hbm>>) dst(%dma_wait3A_157 : memref<128x128xf32, #tpu.memory_space<vmem>>)
    %mul3A_164 = arith.constant 512 : i32
    %mul3A_165 = arith.muli %add3A, %mul3A_164 : i32
    %add3A_166 = arith.constant 384 : i32
    %add3A_167 = arith.addi %mul3A_165, %add3A_166 : i32
    %dma_start3A_168 = arith.constant 384 : i32
    %dma_start3A_169 = arith.constant 0 : i32
    %dma_start3A_170 = tpu.memref_slice %arg6[%dma_start3A_168, %dma_start3A_169] : memref<512x128xf32, #tpu.memory_space<vmem>> -> memref<128x128xf32, #tpu.memory_space<vmem>>
    %dma_start3A_171 = arith.constant 0 : i32
    %dma_start3A_172 = tpu.memref_slice %arg4[%add3A_167, %dma_start3A_171] : memref<16384x128xf32, #tpu.memory_space<hbm>> -> memref<128x128xf32, #tpu.memory_space<hbm>>
    %dma_start3A_173 = arith.constant 0 : i32
    %dma_start3A_174 = tpu.memref_slice %arg4[%add3A_167, %dma_start3A_173] : memref<16384x128xf32, #tpu.memory_space<hbm>> -> memref<128x128xf32, #tpu.memory_space<hbm>>
    %dma_start3A_175 = arith.constant 384 : i32
    %dma_start3A_176 = arith.constant 0 : i32
    %dma_start3A_177 = tpu.memref_slice %arg6[%dma_start3A_175, %dma_start3A_176] : memref<512x128xf32, #tpu.memory_space<vmem>> -> memref<128x128xf32, #tpu.memory_space<vmem>>
    tpu.enqueue_dma source(%dma_start3A_177 : memref<128x128xf32, #tpu.memory_space<vmem>>) target(%dma_start3A_174 : memref<128x128xf32, #tpu.memory_space<hbm>>) target_semaphore(%arg8 : memref<!tpu.dma_semaphore, #tpu.memory_space<semaphore_mem>>)
    %dma_wait3A_178 = arith.constant 0 : i32
    %dma_wait3A_179 = arith.constant 0 : i32
    %dma_wait3A_180 = tpu.memref_slice %arg6[%dma_wait3A_178, %dma_wait3A_179] : memref<512x128xf32, #tpu.memory_space<vmem>> -> memref<128x128xf32, #tpu.memory_space<vmem>>
    %dma_wait3A_181 = arith.constant 0 : i32
    %dma_wait3A_182 = tpu.memref_slice %arg4[%add3A_95, %dma_wait3A_181] : memref<16384x128xf32, #tpu.memory_space<hbm>> -> memref<128x128xf32, #tpu.memory_space<hbm>>
    %dma_wait3A_183 = arith.constant 0 : i32
    %dma_wait3A_184 = tpu.memref_slice %arg4[%add3A_95, %dma_wait3A_183] : memref<16384x128xf32, #tpu.memory_space<hbm>> -> memref<128x128xf32, #tpu.memory_space<hbm>>
    %dma_wait3A_185 = arith.constant 0 : i32
    %dma_wait3A_186 = arith.constant 0 : i32
    %dma_wait3A_187 = tpu.memref_slice %arg6[%dma_wait3A_185, %dma_wait3A_186] : memref<512x128xf32, #tpu.memory_space<vmem>> -> memref<128x128xf32, #tpu.memory_space<vmem>>
    tpu.wait_dma2 semaphore(%arg8 : memref<!tpu.dma_semaphore, #tpu.memory_space<semaphore_mem>>) src(%dma_wait3A_187 : memref<128x128xf32, #tpu.memory_space<vmem>>) dst(%dma_wait3A_184 : memref<128x128xf32, #tpu.memory_space<hbm>>)
    %dma_wait3A_188 = arith.constant 128 : i32
    %dma_wait3A_189 = arith.constant 0 : i32
    %dma_wait3A_190 = tpu.memref_slice %arg6[%dma_wait3A_188, %dma_wait3A_189] : memref<512x128xf32, #tpu.memory_space<vmem>> -> memref<128x128xf32, #tpu.memory_space<vmem>>
    %dma_wait3A_191 = arith.constant 0 : i32
    %dma_wait3A_192 = tpu.memref_slice %arg4[%add3A_119, %dma_wait3A_191] : memref<16384x128xf32, #tpu.memory_space<hbm>> -> memref<128x128xf32, #tpu.memory_space<hbm>>
    %dma_wait3A_193 = arith.constant 0 : i32
    %dma_wait3A_194 = tpu.memref_slice %arg4[%add3A_119, %dma_wait3A_193] : memref<16384x128xf32, #tpu.memory_space<hbm>> -> memref<128x128xf32, #tpu.memory_space<hbm>>
    %dma_wait3A_195 = arith.constant 128 : i32
    %dma_wait3A_196 = arith.constant 0 : i32
    %dma_wait3A_197 = tpu.memref_slice %arg6[%dma_wait3A_195, %dma_wait3A_196] : memref<512x128xf32, #tpu.memory_space<vmem>> -> memref<128x128xf32, #tpu.memory_space<vmem>>
    tpu.wait_dma2 semaphore(%arg8 : memref<!tpu.dma_semaphore, #tpu.memory_space<semaphore_mem>>) src(%dma_wait3A_197 : memref<128x128xf32, #tpu.memory_space<vmem>>) dst(%dma_wait3A_194 : memref<128x128xf32, #tpu.memory_space<hbm>>)
    %dma_wait3A_198 = arith.constant 256 : i32
    %dma_wait3A_199 = arith.constant 0 : i32
    %dma_wait3A_200 = tpu.memref_slice %arg6[%dma_wait3A_198, %dma_wait3A_199] : memref<512x128xf32, #tpu.memory_space<vmem>> -> memref<128x128xf32, #tpu.memory_space<vmem>>
    %dma_wait3A_201 = arith.constant 0 : i32
    %dma_wait3A_202 = tpu.memref_slice %arg4[%add3A_143, %dma_wait3A_201] : memref<16384x128xf32, #tpu.memory_space<hbm>> -> memref<128x128xf32, #tpu.memory_space<hbm>>
    %dma_wait3A_203 = arith.constant 0 : i32
    %dma_wait3A_204 = tpu.memref_slice %arg4[%add3A_143, %dma_wait3A_203] : memref<16384x128xf32, #tpu.memory_space<hbm>> -> memref<128x128xf32, #tpu.memory_space<hbm>>
    %dma_wait3A_205 = arith.constant 256 : i32
    %dma_wait3A_206 = arith.constant 0 : i32
    %dma_wait3A_207 = tpu.memref_slice %arg6[%dma_wait3A_205, %dma_wait3A_206] : memref<512x128xf32, #tpu.memory_space<vmem>> -> memref<128x128xf32, #tpu.memory_space<vmem>>
    tpu.wait_dma2 semaphore(%arg8 : memref<!tpu.dma_semaphore, #tpu.memory_space<semaphore_mem>>) src(%dma_wait3A_207 : memref<128x128xf32, #tpu.memory_space<vmem>>) dst(%dma_wait3A_204 : memref<128x128xf32, #tpu.memory_space<hbm>>)
    %dma_wait3A_208 = arith.constant 384 : i32
    %dma_wait3A_209 = arith.constant 0 : i32
    %dma_wait3A_210 = tpu.memref_slice %arg6[%dma_wait3A_208, %dma_wait3A_209] : memref<512x128xf32, #tpu.memory_space<vmem>> -> memref<128x128xf32, #tpu.memory_space<vmem>>
    %dma_wait3A_211 = arith.constant 0 : i32
    %dma_wait3A_212 = tpu.memref_slice %arg4[%add3A_167, %dma_wait3A_211] : memref<16384x128xf32, #tpu.memory_space<hbm>> -> memref<128x128xf32, #tpu.memory_space<hbm>>
    %dma_wait3A_213 = arith.constant 0 : i32
    %dma_wait3A_214 = tpu.memref_slice %arg4[%add3A_167, %dma_wait3A_213] : memref<16384x128xf32, #tpu.memory_space<hbm>> -> memref<128x128xf32, #tpu.memory_space<hbm>>
    %dma_wait3A_215 = arith.constant 384 : i32
    %dma_wait3A_216 = arith.constant 0 : i32
    %dma_wait3A_217 = tpu.memref_slice %arg6[%dma_wait3A_215, %dma_wait3A_216] : memref<512x128xf32, #tpu.memory_space<vmem>> -> memref<128x128xf32, #tpu.memory_space<vmem>>
    tpu.wait_dma2 semaphore(%arg8 : memref<!tpu.dma_semaphore, #tpu.memory_space<semaphore_mem>>) src(%dma_wait3A_217 : memref<128x128xf32, #tpu.memory_space<vmem>>) dst(%dma_wait3A_214 : memref<128x128xf32, #tpu.memory_space<hbm>>)
    return
  }
}

module attributes {stable_mosaic.version = 14 : i64} {
  func.func @_tc_body(%arg0: i32, %arg1: i32, %arg2: memref<2048x128xf32, #tpu.memory_space<vmem>>, %arg3: memref<2048x128xf32, #tpu.memory_space<vmem>>, %arg4: memref<1x1x2048xi32, #tpu.memory_space<vmem>>, %arg5: memref<2x128xf32, #tpu.memory_space<vmem>>, %arg6: memref<1x128xf32, #tpu.memory_space<vmem>>, %arg7: memref<1x128xf32, #tpu.memory_space<vmem>>, %arg8: memref<1024x128xbf16, #tpu.memory_space<vmem>>, %arg9: memref<1x1024xf32, #tpu.memory_space<vmem>>, %arg10: memref<2048x1024xf32, #tpu.memory_space<vmem>>) attributes {dimension_semantics = [#tpu.dimension_semantics<arbitrary>, #tpu.dimension_semantics<arbitrary>], iteration_bounds = array<i64: 2, 4>, scalar_prefetch = 0 : i64, scratch_operands = 0 : i64, tpu.core_type = #tpu.core_type<tc>, window_params = [{transform_indices = @transform_0, window_bounds = array<i64: 2048, 128>}, {transform_indices = @transform_1, window_bounds = array<i64: 2048, 128>}, {transform_indices = @transform_2, window_bounds = array<i64: 1, 1, 2048>}, {pipeline_mode = #tpu.pipeline_mode<synchronous>, transform_indices = @transform_3, window_bounds = array<i64: 2, 128>}, {pipeline_mode = #tpu.pipeline_mode<synchronous>, transform_indices = @transform_4, window_bounds = array<i64: 1, 128>}, {pipeline_mode = #tpu.pipeline_mode<synchronous>, transform_indices = @transform_5, window_bounds = array<i64: 1, 128>}, {pipeline_mode = #tpu.pipeline_mode<synchronous>, transform_indices = @transform_6, window_bounds = array<i64: 1024, 128>}, {pipeline_mode = #tpu.pipeline_mode<synchronous>, transform_indices = @transform_7, window_bounds = array<i64: 1, 1024>}, {transform_indices = @transform_8, window_bounds = array<i64: 2048, 1024>}]} {
    %get3A = arith.constant 0 : index
    %get3A_0 = arith.constant 0 : index
    %get3A_1 = vector.load %arg2[%get3A, %get3A_0] : memref<2048x128xf32, #tpu.memory_space<vmem>>, vector<2048x128xf32>
    %get3A_2 = arith.constant 0 : index
    %get3A_3 = arith.constant 0 : index
    %get3A_4 = vector.load %arg3[%get3A_2, %get3A_3] : memref<2048x128xf32, #tpu.memory_space<vmem>>, vector<2048x128xf32>
    %get3A_5 = arith.constant 0 : index
    %get3A_6 = arith.constant 0 : index
    %get3A_7 = arith.constant 0 : index
    %get3A_8 = vector.load %arg4[%get3A_5, %get3A_6, %get3A_7] : memref<1x1x2048xi32, #tpu.memory_space<vmem>>, vector<1x1x2048xi32>
    %get3A_9 = vector.shape_cast %get3A_8 : vector<1x1x2048xi32> to vector<1x2048xi32>
    %convert_element_type3A = arith.sitofp %get3A_9 : vector<1x2048xi32> to vector<1x2048xf32>
    %get3A_10 = arith.constant 0 : index
    %get3A_11 = arith.constant 0 : index
    %get3A_12 = vector.load %arg5[%get3A_10, %get3A_11] : memref<2x128xf32, #tpu.memory_space<vmem>>, vector<2x128xf32>
    %slice3A = vector.extract_strided_slice %get3A_12 {offsets = [1, 0], sizes = [1, 128], strides = [1, 1]} : vector<2x128xf32> to vector<1x128xf32>
    %squeeze3A = vector.shape_cast %slice3A : vector<1x128xf32> to vector<128xf32>
    %slice3A_13 = vector.extract_strided_slice %get3A_12 {offsets = [0, 0], sizes = [1, 128], strides = [1, 1]} : vector<2x128xf32> to vector<1x128xf32>
    %squeeze3A_14 = vector.shape_cast %slice3A_13 : vector<1x128xf32> to vector<128xf32>
    %sub3A = arith.subf %squeeze3A, %squeeze3A_14 : vector<128xf32>
    %broadcast_in_dim3A = vector.shape_cast %sub3A : vector<128xf32> to vector<1x128xf32>
    %dot_general3A = arith.constant dense<0.000000e+00> : vector<2048x128xf32>
    %dot_general3A_15 = tpu.matmul %convert_element_type3A, %broadcast_in_dim3A, %dot_general3A {dimension_numbers = #tpu.dot_dimension_numbers<[0], [0], [1], [1], [0, 1, 1, 1], [], []>, transpose_lhs_hint = false} : vector<1x2048xf32>, vector<1x128xf32>, vector<2048x128xf32> -> vector<2048x128xf32>
    %add3A = arith.addf %get3A_1, %get3A_4 : vector<2048x128xf32>
    %slice3A_16 = vector.extract_strided_slice %get3A_12 {offsets = [0, 0], sizes = [1, 128], strides = [1, 1]} : vector<2x128xf32> to vector<1x128xf32>
    %squeeze3A_17 = vector.shape_cast %slice3A_16 : vector<1x128xf32> to vector<128xf32>
    %broadcast_in_dim3A_18 = vector.shape_cast %squeeze3A_17 : vector<128xf32> to vector<1x128xf32>
    %add3A_19 = vector.broadcast %broadcast_in_dim3A_18 : vector<1x128xf32> to vector<2048x128xf32>
    %add3A_20 = arith.addf %add3A, %add3A_19 : vector<2048x128xf32>
    %add3A_21 = arith.addf %add3A_20, %dot_general3A_15 : vector<2048x128xf32>
    %reduce_sum3A = arith.constant dense<0.000000e+00> : vector<2048xf32>
    %reduce_sum3A_22 = vector.multi_reduction <add>, %add3A_21, %reduce_sum3A [1] : vector<2048x128xf32> to vector<2048xf32>
    %broadcast_in_dim3A_23 = vector.shape_cast %reduce_sum3A_22 : vector<2048xf32> to vector<2048x1xf32>
    %mul3A = arith.mulf %add3A_21, %add3A_21 : vector<2048x128xf32>
    %reduce_sum3A_24 = arith.constant dense<0.000000e+00> : vector<2048xf32>
    %reduce_sum3A_25 = vector.multi_reduction <add>, %mul3A, %reduce_sum3A_24 [1] : vector<2048x128xf32> to vector<2048xf32>
    %broadcast_in_dim3A_26 = vector.shape_cast %reduce_sum3A_25 : vector<2048xf32> to vector<2048x1xf32>
    %mul3A_27 = arith.constant 7.812500e-03 : f32
    %mul3A_28 = vector.broadcast %mul3A_27 : f32 to vector<2048x1xf32>
    %mul3A_29 = arith.mulf %broadcast_in_dim3A_23, %mul3A_28 : vector<2048x1xf32>
    %mul3A_30 = arith.constant 7.812500e-03 : f32
    %mul3A_31 = vector.broadcast %mul3A_30 : f32 to vector<2048x1xf32>
    %mul3A_32 = arith.mulf %broadcast_in_dim3A_26, %mul3A_31 : vector<2048x1xf32>
    %mul3A_33 = arith.mulf %mul3A_29, %mul3A_29 : vector<2048x1xf32>
    %sub3A_34 = arith.subf %mul3A_32, %mul3A_33 : vector<2048x1xf32>
    %sub3A_35 = vector.broadcast %mul3A_29 : vector<2048x1xf32> to vector<2048x128xf32>
    %sub3A_36 = arith.subf %add3A_21, %sub3A_35 : vector<2048x128xf32>
    %add3A_37 = arith.constant 9.99999996E-13 : f32
    %add3A_38 = vector.broadcast %add3A_37 : f32 to vector<2048x1xf32>
    %add3A_39 = arith.addf %sub3A_34, %add3A_38 : vector<2048x1xf32>
    %rsqrt3A = math.rsqrt %add3A_39 : vector<2048x1xf32>
    %mul3A_40 = vector.broadcast %rsqrt3A : vector<2048x1xf32> to vector<2048x128xf32>
    %mul3A_41 = arith.mulf %sub3A_36, %mul3A_40 : vector<2048x128xf32>
    %get3A_42 = arith.constant 0 : index
    %get3A_43 = arith.constant 0 : index
    %get3A_44 = vector.load %arg6[%get3A_42, %get3A_43] : memref<1x128xf32, #tpu.memory_space<vmem>>, vector<1x128xf32>
    %mul3A_45 = vector.broadcast %get3A_44 : vector<1x128xf32> to vector<2048x128xf32>
    %mul3A_46 = arith.mulf %mul3A_41, %mul3A_45 : vector<2048x128xf32>
    %get3A_47 = arith.constant 0 : index
    %get3A_48 = arith.constant 0 : index
    %get3A_49 = vector.load %arg7[%get3A_47, %get3A_48] : memref<1x128xf32, #tpu.memory_space<vmem>>, vector<1x128xf32>
    %add3A_50 = vector.broadcast %get3A_49 : vector<1x128xf32> to vector<2048x128xf32>
    %add3A_51 = arith.addf %mul3A_46, %add3A_50 : vector<2048x128xf32>
    %convert_element_type3A_52 = arith.truncf %add3A_51 : vector<2048x128xf32> to vector<2048x128xbf16>
    %get3A_53 = arith.constant 0 : index
    %get3A_54 = arith.constant 0 : index
    %get3A_55 = vector.load %arg8[%get3A_53, %get3A_54] : memref<1024x128xbf16, #tpu.memory_space<vmem>>, vector<1024x128xbf16>
    %dot_general3A_56 = arith.constant dense<0.000000e+00> : vector<2048x1024xf32>
    %dot_general3A_57 = tpu.matmul %convert_element_type3A_52, %get3A_55, %dot_general3A_56 {dimension_numbers = #tpu.dot_dimension_numbers<[1], [1], [0], [0], [0, 0, 1, 0], [], []>, transpose_lhs_hint = false} : vector<2048x128xbf16>, vector<1024x128xbf16>, vector<2048x1024xf32> -> vector<2048x1024xf32>
    %get3A_58 = arith.constant 0 : index
    %get3A_59 = arith.constant 0 : index
    %get3A_60 = vector.load %arg9[%get3A_58, %get3A_59] : memref<1x1024xf32, #tpu.memory_space<vmem>>, vector<1x1024xf32>
    %add3A_61 = vector.broadcast %get3A_60 : vector<1x1024xf32> to vector<2048x1024xf32>
    %add3A_62 = arith.addf %dot_general3A_57, %add3A_61 : vector<2048x1024xf32>
    %swap3A = arith.constant 0 : index
    %swap3A_63 = arith.constant 0 : index
    %swap3A_64 = vector.load %arg10[%swap3A, %swap3A_63] : memref<2048x1024xf32, #tpu.memory_space<vmem>>, vector<2048x1024xf32>
    tpu.vector_store %arg10[%swap3A, %swap3A_63], %add3A_62 {strides = array<i32>} : memref<2048x1024xf32, #tpu.memory_space<vmem>>, vector<2048x1024xf32>,
    return
  }
  func.func @transform_0(%arg0: i32, %arg1: i32) -> (i32, i32) {
    %mul3A = arith.constant 2 : i32
    %mul3A_0 = arith.muli %arg1, %mul3A : i32
    %add3A = arith.addi %mul3A_0, %arg0 : i32
    %c0_i32 = arith.constant 0 : i32
    %c0_i32_1 = arith.constant 0 : i32
    return %add3A, %c0_i32 : i32, i32
  }
  func.func @transform_1(%arg0: i32, %arg1: i32) -> (i32, i32) {
    %c0_i32 = arith.constant 0 : i32
    %c0_i32_0 = arith.constant 0 : i32
    return %arg0, %c0_i32 : i32, i32
  }
  func.func @transform_2(%arg0: i32, %arg1: i32) -> (i32, i32, i32) {
    %mul3A = arith.constant 2 : i32
    %mul3A_0 = arith.muli %arg1, %mul3A : i32
    %add3A = arith.addi %mul3A_0, %arg0 : i32
    %c0_i32 = arith.constant 0 : i32
    %c0_i32_1 = arith.constant 0 : i32
    %c0_i32_2 = arith.constant 0 : i32
    return %add3A, %c0_i32, %c0_i32_1 : i32, i32, i32
  }
  func.func @transform_3(%arg0: i32, %arg1: i32) -> (i32, i32) {
    %c0_i32 = arith.constant 0 : i32
    %c0_i32_0 = arith.constant 0 : i32
    %c0_i32_1 = arith.constant 0 : i32
    return %c0_i32, %c0_i32_0 : i32, i32
  }
  func.func @transform_4(%arg0: i32, %arg1: i32) -> (i32, i32) {
    %c0_i32 = arith.constant 0 : i32
    %c0_i32_0 = arith.constant 0 : i32
    %c0_i32_1 = arith.constant 0 : i32
    return %c0_i32, %c0_i32_0 : i32, i32
  }
  func.func @transform_5(%arg0: i32, %arg1: i32) -> (i32, i32) {
    %c0_i32 = arith.constant 0 : i32
    %c0_i32_0 = arith.constant 0 : i32
    %c0_i32_1 = arith.constant 0 : i32
    return %c0_i32, %c0_i32_0 : i32, i32
  }
  func.func @transform_6(%arg0: i32, %arg1: i32) -> (i32, i32) {
    %c0_i32 = arith.constant 0 : i32
    %c0_i32_0 = arith.constant 0 : i32
    %c0_i32_1 = arith.constant 0 : i32
    return %c0_i32, %c0_i32_0 : i32, i32
  }
  func.func @transform_7(%arg0: i32, %arg1: i32) -> (i32, i32) {
    %c0_i32 = arith.constant 0 : i32
    %c0_i32_0 = arith.constant 0 : i32
    %c0_i32_1 = arith.constant 0 : i32
    return %c0_i32, %c0_i32_0 : i32, i32
  }
  func.func @transform_8(%arg0: i32, %arg1: i32) -> (i32, i32) {
    %mul3A = arith.constant 2 : i32
    %mul3A_0 = arith.muli %arg1, %mul3A : i32
    %add3A = arith.addi %mul3A_0, %arg0 : i32
    %c0_i32 = arith.constant 0 : i32
    %c0_i32_1 = arith.constant 0 : i32
    return %add3A, %c0_i32 : i32, i32
  }
}

</mosaic_0001>

<sc_bundles>
// kernel: kernel.4.cloned.1.call-start
scs
__scs_entry_jumppad:
0x0: {  	(pc) =	sbr.rel $0x88, $3  }
0x1: {  	(tag) =	ssettag $0x0;
	lr =	simm.s32 $0x1  }
0x2: {  	[smem:$0x3F98] =	sst lr;
	_ =	strace $0xD0000000  }
0x3: {  	_ = 	snop  }
0x4: {  	_ = 	snop  }
0x5: {  	_ = 	snop  }
0x6: {  	_ = 	snop  }
0x7: {  	_ = 	snop  }
__scs_overlays_trampoline_lowered:
0x8: {  	[smem:$0x3FA7] =	sst s0  }
0x9: {  	[smem:$0x3FA8] =	sst s1  }
0xa: {  	[smem:$0x3FA9] =	sst s2  }
0xb: {  	[smem:$0x3FAA] =	sst s3  }
0xc: {  	[smem:$0x3FAB] =	sst s4  }
0xd: {  	[smem:$0x3FAC] =	sst s5  }
0xe: {  	[smem:$0x3FAD] =	sst s6  }
0xf: {  	[smem:$0x3FAE] =	sst s7  }
0x10: {  	[smem:$0x3FAF] =	sst s8  }
0x11: {  	[smem:$0x3FB0] =	sst s9;
	s0 =	simm.s32 @!p0 $0x0  }
0x12: {  	s1 =	sld [smem:$0x3F96];
	s0 =	simm.s32 @p0 $0x1  }
0x13: {  	[smem:$0x3FB1] =	sst s0;
	s0 =	simm.s32 @!p1 $0x0  }
0x14: {  	s2 =	sld [smem:$0x3F95];
	s0 =	simm.s32 @p1 $0x1  }
0x15: {  	[smem:$0x3FB2] =	sst s0;
	s0 =	simm.s32 @!p2 $0x0  }
0x16: {  	s3 =	sld [smem:$0x3FDB];
	s0 =	simm.s32 @p2 $0x1  }
0x17: {  	s4 =	simm.s32 $0x1BF5;
	[smem:$0x3FB4] =	sst s0  }
0x18: {  	s0 =	sld [smem:$0x3F97];
	_ =	swait.ge [sflag:s4], $0x0  }
0x19: {  	s7 =	sld [smem:$0x3F98]  }
0x1a: {  	s8 =	sadd.s32 $0xFFFFE003, lr  }
0x1b: {  	s9 =	sadd.s32 $0xFFFFFEF7, lr;
	s5 =	simm.s32 $0xFFFFFFFF;
	p2 =	slt.u32 s8, $0xFFFFF086  }
0x1c: {  	p1 =	slt.u32 s9, $0xF7A;
	s5 =	simm.s32 @!p2 $0x0  }
0x1d: {  	s5 =	simm.s32 @p1 $0x1;
	p0 =	seq.s32 s7, s2  }
0x1e: {  	s7 =	smul.u32 @!p0 $0xF7A, s2;
	p2 =	seq.s32 @!p0 s5, $0x0  }
0x1f: {  	s9 =	smul.u32 $0xF7A, s1;
	s8 =	simm.s32 @!p0 $0x1BF5;
	p2 =	por !p2, p0  }
0x20: {  	[sflag:s8] =	ssyncset.s32 @!p0 $0xFFFFF086;
	s6 =	sadd.s32 @!p0 s3, s7;
	s7 =	simm.s32 @!p0 $0x108  }
0x21: {  	s3 =	sadd.s32 s3, s9;
	s6 =	sadd.s32 @!p0 $0x88, s6;
	s7 =	simm.s32 @p2 $0x1082  }
0x22: {  	[simem:s7], [sflag:s8] =	dma.local @!p0 [hbm:s6], $0xF7A  }
0x23: {  	s9 =	sor.u32 $0xD0000000, s2;
	s6 =	simm.s32 $0x108;
	_ =	swait.ge @!p0 [sflag:s8], $0x0  }
0x24: {  	s3 =	sadd.s32 $0x88, s3;
	s6 =	simm.s32 @!p1 $0x1082;
	[sflag:s4] =	ssyncset.s32 $0xFFFFF086  }
0x25: {  	[simem:s6], [sflag:s4] =	dma.local [hbm:s3], $0xF7A  }
0x26: {  	[smem:$0x3F98] =	sst s1;
	(tag) =	ssettag s2;
	_ =	strace s9  }
0x27: {  	s1 =	sld [smem:$0x3FA8]  }
0x28: {  	s2 =	sld [smem:$0x3FA9]  }
0x29: {  	s4 =	sld [smem:$0x3FAB]  }
0x2a: {  	p0 =	seq.s32 s5, $0x0;
	s5 =	sld [smem:$0x3FAC]  }
0x2b: {  	s6 =	sld [smem:$0x3FAD]  }
0x2c: {  	s7 =	sld [smem:$0x3FAE]  }
0x2d: {  	s3 =	simm.s32 $0x108;
	s8 =	sld [smem:$0x3FAF]  }
0x2e: {  	s3 =	simm.s32 @!p0 $0x1082;
	s9 =	sld [smem:$0x3FB0]  }
0x2f: {  	lr =	sadd.s32 s0, s3;
	s0 =	sld [smem:$0x3FA7]  }
0x30: {  	s3 =	sld [smem:$0x3FAA]  }
0x31: {  	[smem:$0x3FB3] =	sst s10  }
0x32: {  	s10 =	sld [smem:$0x3FB1];
	_ =	sdelay $0x3  }
0x33: {  	p0 =	seq.s32 s10, $0x1;
	s10 =	sld [smem:$0x3FB3];
	_ =	sdelay $0x3  }
0x34: {  	[smem:$0x3FB3] =	sst s10  }
0x35: {  	s10 =	sld [smem:$0x3FB2];
	_ =	sdelay $0x3  }
0x36: {  	p1 =	seq.s32 s10, $0x1;
	s10 =	sld [smem:$0x3FB3];
	_ =	sdelay $0x3  }
0x37: {  	[smem:$0x3FB3] =	sst s10  }
0x38: {  	s10 =	sld [smem:$0x3FB4]  }
0x39: {  	_ = 	snop;
	(pc) =	sbr.ind lr, $3  }
0x3a: {  	_ = 	snop  }
0x3b: {  	_ = 	snop  }
0x3c: {  	p2 =	seq.s32 s10, $0x1;
	s10 =	sld [smem:$0x3FB3]  }
0x3d: {  	_ =	shalt  }
0x3e: {  	_ =	shalt  }
0x3f: {  	_ =	shalt  }
0x40: {  	_ =	shalt  }
0x41: {  	_ =	shalt  }
0x42: {  	_ =	shalt  }
0x43: {  	_ =	shalt  }
0x44: {  	_ =	shalt  }
0x45: {  	_ =	shalt  }
0x46: {  	_ =	shalt  }
0x47: {  	_ =	shalt  }
0x48: {  	_ =	shalt  }
0x49: {  	_ =	shalt  }
0x4a: {  	_ =	shalt  }
0x4b: {  	_ =	shalt  }
0x4c: {  	_ =	shalt  }
0x4d: {  	_ =	shalt  }
0x4e: {  	_ =	shalt  }
0x4f: {  	_ =	shalt  }
0x50: {  	_ =	shalt  }
0x51: {  	_ =	shalt  }
0x52: {  	_ =	shalt  }
0x53: {  	_ =	shalt  }
0x54: {  	_ =	shalt  }
0x55: {  	_ =	shalt  }
0x56: {  	_ =	shalt  }
0x57: {  	_ =	shalt  }
0x58: {  	_ =	shalt  }
0x59: {  	_ =	shalt  }
0x5a: {  	_ =	shalt  }
0x5b: {  	_ =	shalt  }
0x5c: {  	_ =	shalt  }
0x5d: {  	_ =	shalt  }
0x5e: {  	_ =	shalt  }
0x5f: {  	_ =	shalt  }
0x60: {  	_ =	shalt  }
0x61: {  	_ =	shalt  }
0x62: {  	_ =	shalt  }
0x63: {  	_ =	shalt  }
0x64: {  	_ =	shalt  }
0x65: {  	_ =	shalt  }
0x66: {  	_ =	shalt  }
0x67: {  	_ =	shalt  }
0x68: {  	_ =	shalt  }
0x69: {  	_ =	shalt  }
0x6a: {  	_ =	shalt  }
0x6b: {  	_ =	shalt  }
0x6c: {  	_ =	shalt  }
0x6d: {  	_ =	shalt  }
0x6e: {  	_ =	shalt  }
0x6f: {  	_ =	shalt  }
0x70: {  	_ =	shalt  }
0x71: {  	_ =	shalt  }
0x72: {  	_ =	shalt  }
0x73: {  	_ =	shalt  }
0x74: {  	_ =	shalt  }
0x75: {  	_ =	shalt  }
0x76: {  	_ =	shalt  }
0x77: {  	_ =	shalt  }
0x78: {  	_ =	shalt  }
0x79: {  	_ =	shalt  }
0x7a: {  	_ =	shalt  }
0x7b: {  	_ =	shalt  }
0x7c: {  	_ =	shalt  }
0x7d: {  	_ =	shalt  }
0x7e: {  	_ =	shalt  }
0x7f: {  	_ =	shalt  }
0x80: {  	_ =	shalt  }
0x81: {  	_ =	shalt  }
0x82: {  	_ =	shalt  }
0x83: {  	_ =	shalt  }
0x84: {  	_ =	shalt  }
0x85: {  	_ =	shalt  }
0x86: {  	_ =	shalt  }
0x87: {  	_ =	shalt  }
.Lfunc_end0:
.L_simem_size_0:
called_computation_lowered:
.L_overlay_start_0:
0x88: {  	s2 =	sld [smem:$0x3FD9]  }
0x89: {  	s3 =	sld [smem:$0x3FFE];
	_ =	sdelay $0x1  }
0x8a: {  	s1 =	srdreg.scid  }
0x8b: {  	s0 =	sand.u32 $0x1, s1  }
0x8c: {  	s18 =	sshll.u32 s0, $0xA;
	s2 =	sadd.s32 s3, s2  }
0x8d: {  	s2 =	sadd.s32 s2, s18  }
0x8e: {  	[smem:$0x3FBF] =	sst s2  }
0x8f: {  	_ = 	snop  }
0x90: {  	s2 =	sld [smem:$0x3FC9]  }
0x91: {  	s19 =	sld [smem:$0x3FC7]  }
0x92: {  	s4 =	sld [smem:$0x3FD0];
	(tm) =	ssettm $0x1  }
0x93: {  	s5 =	sld [smem:$0x3FFB];
	_ =	sdelay $0x3  }
0x94: {  	_ =	strace s5  }
0x95: {  	s5 =	sld [smem:$0x3FFC];
	_ =	sdelay $0x3  }
0x96: {  	_ =	strace s5  }
0x97: {  	s5 =	sld [smem:$0x3FFD];
	_ =	sdelay $0x3  }
0x98: {  	_ =	strace s5  }
0x99: {  	_ =	strace $0x8FFFFFFF  }
0x9a: {  	s20 =	sld [smem:$0x3FDB];
	_ =	sdelay $0x1  }
0x9b: {  	s6 =	simm.s32 $_scs_section_size  }
0x9c: {  	s7 =	simm.s32 $_size__tile_overlayer_lowered;
	s8 =	simm.s32 $_tile_overlayer_lowered  }
0x9d: {  	s23 =	simm.s32 $0x1BFF;
	s22 =	sshll.u32 s8, $0x1;
	s5 =	sadd.s32 s6, s20  }
0x9e: {  	s9 =	simm.s32 $0x0;
	s21 =	sshll.u32 s7, $0x1;
	s7 =	sadd.s32 s22, s5  }
0x9f: {  	[timem:s9], [sflag:s23] =	dma.local [hbm:s7], s21  }
0xa0: {  	_ =	swait.ge [sflag:s23], s21  }
0xa1: {  	s6 =	ssub.s32 $0x0, s21;
	[sflag:s23] =	ssyncset.done $0x0  }
0xa2: {  	[sflag:s23] =	ssyncadd.s32 s6;
	_ =	sdelay $0x1  }
0xa3: {  	s24 =	simm.s32 $0x1B8B  }
0xa4: {  	_ =	swait.ge [sflag:s24], $0x1  }
0xa5: {  	[sflag:s24] =	ssyncset.done $0x0  }
0xa6: {  	s25 =	simm.s32 $0x1B8E;
	[sflag:s24] =	ssyncadd.s32 $0xFFFFFFFF  }
0xa7: {  	s26 =	simm.s32 $execute0_lowered;
	[smem:$0x3FD2] =	sst s25  }
0xa8: {  	s6 =	sshll.u32 s26, $0x1;
	_ =	strace $0x80000046;
	[dreg:$0x1] =	wrdreg $0xFFFFFFFF  }
0xa9: {  	s28 =	simm.s32 $_size_execute0_lowered;
	s5 =	sadd.s32 s5, s6;
	[dreg:$0x0] =	wrdreg $0x0  }
0xaa: {  	s6 =	sshll.u32 s28, $0x1;
	[dreg:$0x2] =	wrdreg s5  }
0xab: {  	[dreg:$0x3] =	wrdreg s6  }
0xac: {  	[dreg:$0x4] =	wrdreg $0xC0  }
0xad: {  	_ =	task [dreg:s9], $0x5FFFF  }
0xae: {  	[dreg:$0x1] =	wrdreg $0xFFFFFFFF  }
0xaf: {  	[dreg:$0x0] =	wrdreg $0x60  }
0xb0: {  	[dreg:$0x2] =	wrdreg s19  }
0xb1: {  	[dreg:$0x3] =	wrdreg s2  }
0xb2: {  	[dreg:$0x4] =	wrdreg s4  }
0xb3: {  	[dreg:$0x5] =	wrdreg $0x9  }
0xb4: {  	_ =	task.clear_ibuf [dreg:s9], $0x6FFFF;
	_ =	strace $0x90000046  }
0xb5: {  	s29 =	simm.s32 $0x9;
	_ =	strace $0x80000048  }
0xb6: {  	_ =	swait.ge [sflag:s29], $0x1  }
0xb7: {  	[sflag:s29] =	ssyncadd.s32 $0xFFFFFFFF  }
0xb8: {  	_ =	strace $0x90000048  }
0xb9: {  	_ =	sfence  }
0xba: {  	s30 =	sld [smem:$0x0];
	_ =	sdelay $0x2  }
0xbb: {  	s31 =	sshll.u32 s1, $0xD;
	s1 =	sshrl.u32 s1, $0x2  }
0xbc: {  	s3 =	sand.u32 $0x4000, s31;
	s1 =	sadd.s32 s1, s30  }
0xbd: {  	s0 =	sor.u32 s3, s0;
	s1 =	sshll.u32 s1, $0x11  }
0xbe: {  	s0 =	sor.u32 s1, s0  }
0xbf: {  	s0 =	sadd.s32 $0x8F2B, s0  }
0xc0: {  	[sflag:s0] =	ssyncadd.remote.s32 $0x1  }
0xc1: {  	_ =	sfence.sel $0xFFFF  }
0xc2: {  	[dreg:$0x0] =	wrdreg $0xFFFFFFFF;
	(pc) =	sbr.abs _section_cstart, $3  }
0xc3: {  	[dreg:$0x1] =	wrdreg $0xFFFFFFFF  }
0xc4: {  	_ =	task.clear_ibuf [dreg:s9], $0x2FFFF;
	_ =	strace $0x9FFFFFFF  }
0xc5: {  	(tm) =	ssettm $0x7FFFFFFF  }
tec
execute0_lowered:
.L_overlay_start_1:
0x0: {  	(tag) =	ssettag $0x1  }
0x1: {  	s2 =	srdreg.scid;
	s0 =	stileid.u32  }
0x2: {  	s1 =	rddreg [dreg:$0x0];
	s22 =	sand.u32 $0x1, s2;
	s31 =	sshll.u32 s0, $0x1  }
0x3: {  	s4 =	rddreg [dreg:$0x1];
	s17 =	sor.u32 s22, s31  }
0x4: {  	s18 =	rddreg [dreg:$0x2];
	s6 =	sshll.u32 s0, $0x2;
	s5 =	sshll.u32 s17, $0x8  }
0x5: {  	s3 =	simm.s32 $0x0;
	s2 =	rddreg [dreg:$0x3];
	s5 =	sor.u32 s6, s5  }
0x6: {  	[smem:$0x7FF] =	sst s3;
	s5 =	sand.u32 $0x730, s5  }
0x7: {  	_ =	strace $0x80000047;
	s4 =	sadd.s32 s4, s5;
	s5 =	simm.s32 $0x3  }
0x8: {  	[tilespmem:s3], [sflag:$0x3] =	stream.linear.gather [hbm4b:s4+s3], $0x80, $0x38;
	[tilespmem:$0x10200] =	vst v63  }
0x9: {  	_ =	swait.ge [sflag:s5], $0x80  }
0xa: {  	[sflag:s5] =	ssyncset.done $0x0  }
0xb: {  	s7 =	simm.s32 $0x80;
	s6 =	sadd.s32 $0x40, s4;
	[sflag:s5] =	ssyncadd.s32 $0xFFFFFF80  }
0xc: {  	[tilespmem:s7], [sflag:$0x3] =	stream.linear.gather [hbm4b:s6+s3], $0x80, $0x38;
	[tilespmem:$0x10200] =	vst v63  }
0xd: {  	_ =	swait.ge [sflag:s5], $0x80  }
0xe: {  	[sflag:s5] =	ssyncset.done $0x0  }
0xf: {  	s9 =	simm.s32 $0x100;
	s8 =	sadd.s32 $0x80, s4;
	[sflag:s5] =	ssyncadd.s32 $0xFFFFFF80  }
0x10: {  	[tilespmem:s9], [sflag:$0x3] =	stream.linear.gather [hbm4b:s8+s3], $0x80, $0x38;
	[tilespmem:$0x10200] =	vst v63  }
0x11: {  	_ =	swait.ge [sflag:s5], $0x80  }
0x12: {  	[sflag:s5] =	ssyncset.done $0x0  }
0x13: {  	s11 =	simm.s32 $0x180;
	s10 =	sadd.s32 $0xC0, s4;
	[sflag:s5] =	ssyncadd.s32 $0xFFFFFF80  }
0x14: {  	[tilespmem:s11], [sflag:$0x3] =	stream.linear.gather [hbm4b:s10+s3], $0x80, $0x38;
	[tilespmem:$0x10200] =	vst v63  }
0x15: {  	_ =	swait.ge [sflag:s5], $0x80  }
0x16: {  	[sflag:s5] =	ssyncset.done $0x0  }
0x17: {  	s12 =	simm.s32 $0x200;
	[sflag:s5] =	ssyncadd.s32 $0xFFFFFF80  }
0x18: {  	[tilespmem:s12], [sflag:$0x1] =	stream.indirect.gather [hbm4b:s1+s7], $0x80, s3, s7, $0xb8;
	[tilespmem:$0x10200] =	vst v63  }
0x19: {  	s13 =	simm.s32 $0x4200  }
0x1a: {  	[tilespmem:s13], [sflag:$0x1] =	stream.indirect.gather [hbm4b:s1+s7], $0x80, s7, s7, $0xb8;
	[tilespmem:$0x10200] =	vst v63  }
0x1b: {  	s14 =	simm.s32 $0x8200  }
0x1c: {  	[tilespmem:s14], [sflag:$0x1] =	stream.indirect.gather [hbm4b:s1+s7], $0x80, s9, s7, $0xb8;
	[tilespmem:$0x10200] =	vst v63  }
0x1d: {  	s15 =	simm.s32 $0xC200;
	s16 =	simm.s32 $0x1  }
0x1e: {  	[tilespmem:s15], [sflag:$0x1] =	stream.indirect.gather [hbm4b:s1+s7], $0x80, s11, s7, $0xb8;
	[tilespmem:$0x10200] =	vst v63  }
0x1f: {  	_ =	swait.ge [sflag:s16], $0x4000  }
0x20: {  	s17 =	sshll.u32 s17, $0xD;
	[sflag:s16] =	ssyncset.done $0x0  }
0x21: {  	s17 =	sadd.s32 s18, s17;
	[sflag:s16] =	ssyncadd.s32 $0xFFFFC000  }
0x22: {  	[hbm4b:s17+s3] =	stream.linear.scatter [tilespmem:s12], [sflag:$0x2], $0x4000, $0x38;
	[tilespmem:$0x10200] =	vst v63  }
0x23: {  	_ =	swait.ge [sflag:s16], $0x4000  }
0x24: {  	[sflag:s16] =	ssyncset.done $0x0  }
0x25: {  	s18 =	sadd.s32 $0x800, s17;
	[sflag:s16] =	ssyncadd.s32 $0xFFFFC000  }
0x26: {  	[hbm4b:s18+s3] =	stream.linear.scatter [tilespmem:s13], [sflag:$0x2], $0x4000, $0x38;
	[tilespmem:$0x10200] =	vst v63  }
0x27: {  	_ =	swait.ge [sflag:s16], $0x4000  }
0x28: {  	[sflag:s16] =	ssyncset.done $0x0  }
0x29: {  	s19 =	sadd.s32 $0x1000, s17;
	[sflag:s16] =	ssyncadd.s32 $0xFFFFC000  }
0x2a: {  	[hbm4b:s19+s3] =	stream.linear.scatter [tilespmem:s14], [sflag:$0x2], $0x4000, $0x38;
	[tilespmem:$0x10200] =	vst v63  }
0x2b: {  	_ =	swait.ge [sflag:s16], $0x4000  }
0x2c: {  	[sflag:s16] =	ssyncset.done $0x0  }
0x2d: {  	s20 =	simm.s32 $0x2;
	s21 =	sadd.s32 $0x1800, s17;
	[sflag:s16] =	ssyncadd.s32 $0xFFFFC000  }
0x2e: {  	[hbm4b:s21+s3] =	stream.linear.scatter [tilespmem:s15], [sflag:$0x2], $0x4000, $0x38;
	[tilespmem:$0x10200] =	vst v63  }
0x2f: {  	_ =	swait.ge [sflag:s20], $0x4000  }
0x30: {  	s22 =	ssub.s32 $0x2, s22;
	[sflag:s20] =	ssyncset.done $0x0  }
0x31: {  	s23 =	sshrl.u32 s22, $0x1;
	[sflag:s20] =	ssyncadd.s32 $0xFFFFC000  }
0x32: {  	s22 =	ssub.s32 s22, s23;
	_ =	swait.ge [sflag:s20], $0x4000  }
0x33: {  	s22 =	smax.u32 s22, $0x1;
	[sflag:s20] =	ssyncset.done $0x0  }
0x34: {  	p0 =	sne.s32 s22, $0x1;
	[sflag:s20] =	ssyncadd.s32 $0xFFFFC000  }
.Ltmp0:
0x35: {  	_ =	swait.ge [sflag:s20], $0x4000;
	(pc) =	sbr.rel @!p0 .LBB2_2-.Ltmp0, $4  }
0x36: {  	[sflag:s20] =	ssyncset.done $0x0  }
0x37: {  	[sflag:s20] =	ssyncadd.s32 $0xFFFFC000  }
0x38: {  	_ =	swait.ge [sflag:s20], $0x4000  }
0x39: {  	s22 =	sadd.s32 $0xFFFFFFFF, s22;
	[sflag:s20] =	ssyncset.done $0x0  }
.LBB2_1:
0x3a: {  	p0 =	sne.s32 s22, $0x1;
	s22 =	sadd.s32 $0xFFFFFFFF, s22;
	[sflag:s20] =	ssyncadd.s32 $0xFFFFC000  }
0x3b: {  	[tilespmem:s3], [sflag:$0x3] =	stream.linear.gather [hbm4b:s4+s3], $0x80, $0x38;
	[tilespmem:$0x10200] =	vst v63  }
0x3c: {  	_ =	swait.ge [sflag:s5], $0x80  }
0x3d: {  	[sflag:s5] =	ssyncset.done $0x0  }
0x3e: {  	[sflag:s5] =	ssyncadd.s32 $0xFFFFFF80  }
0x3f: {  	[tilespmem:s7], [sflag:$0x3] =	stream.linear.gather [hbm4b:s6+s3], $0x80, $0x38;
	[tilespmem:$0x10200] =	vst v63  }
0x40: {  	_ =	swait.ge [sflag:s5], $0x80  }
0x41: {  	[sflag:s5] =	ssyncset.done $0x0  }
0x42: {  	[sflag:s5] =	ssyncadd.s32 $0xFFFFFF80  }
0x43: {  	[tilespmem:s9], [sflag:$0x3] =	stream.linear.gather [hbm4b:s8+s3], $0x80, $0x38;
	[tilespmem:$0x10200] =	vst v63  }
0x44: {  	_ =	swait.ge [sflag:s5], $0x80  }
0x45: {  	[sflag:s5] =	ssyncset.done $0x0  }
0x46: {  	[sflag:s5] =	ssyncadd.s32 $0xFFFFFF80  }
0x47: {  	[tilespmem:s11], [sflag:$0x3] =	stream.linear.gather [hbm4b:s10+s3], $0x80, $0x38;
	[tilespmem:$0x10200] =	vst v63  }
0x48: {  	_ =	swait.ge [sflag:s5], $0x80  }
0x49: {  	[sflag:s5] =	ssyncset.done $0x0  }
0x4a: {  	[sflag:s5] =	ssyncadd.s32 $0xFFFFFF80  }
0x4b: {  	[tilespmem:s12], [sflag:$0x1] =	stream.indirect.gather [hbm4b:s1+s7], $0x80, s3, s7, $0xb8;
	[tilespmem:$0x10200] =	vst v63  }
0x4c: {  	_ = 	snop  }
0x4d: {  	[tilespmem:s13], [sflag:$0x1] =	stream.indirect.gather [hbm4b:s1+s7], $0x80, s7, s7, $0xb8;
	[tilespmem:$0x10200] =	vst v63  }
0x4e: {  	_ = 	snop  }
0x4f: {  	[tilespmem:s14], [sflag:$0x1] =	stream.indirect.gather [hbm4b:s1+s7], $0x80, s9, s7, $0xb8;
	[tilespmem:$0x10200] =	vst v63  }
0x50: {  	_ = 	snop  }
0x51: {  	[tilespmem:s15], [sflag:$0x1] =	stream.indirect.gather [hbm4b:s1+s7], $0x80, s11, s7, $0xb8;
	[tilespmem:$0x10200] =	vst v63  }
0x52: {  	_ =	swait.ge [sflag:s16], $0x4000  }
0x53: {  	[sflag:s16] =	ssyncset.done $0x0  }
0x54: {  	[sflag:s16] =	ssyncadd.s32 $0xFFFFC000  }
0x55: {  	[hbm4b:s17+s3] =	stream.linear.scatter [tilespmem:s12], [sflag:$0x2], $0x4000, $0x38;
	[tilespmem:$0x10200] =	vst v63  }
0x56: {  	_ =	swait.ge [sflag:s16], $0x4000  }
0x57: {  	[sflag:s16] =	ssyncset.done $0x0  }
0x58: {  	[sflag:s16] =	ssyncadd.s32 $0xFFFFC000  }
0x59: {  	[hbm4b:s18+s3] =	stream.linear.scatter [tilespmem:s13], [sflag:$0x2], $0x4000, $0x38;
	[tilespmem:$0x10200] =	vst v63  }
0x5a: {  	_ =	swait.ge [sflag:s16], $0x4000  }
0x5b: {  	[sflag:s16] =	ssyncset.done $0x0  }
0x5c: {  	[sflag:s16] =	ssyncadd.s32 $0xFFFFC000  }
0x5d: {  	[hbm4b:s19+s3] =	stream.linear.scatter [tilespmem:s14], [sflag:$0x2], $0x4000, $0x38;
	[tilespmem:$0x10200] =	vst v63  }
0x5e: {  	_ =	swait.ge [sflag:s16], $0x4000  }
0x5f: {  	[sflag:s16] =	ssyncset.done $0x0  }
0x60: {  	[sflag:s16] =	ssyncadd.s32 $0xFFFFC000  }
0x61: {  	[hbm4b:s21+s3] =	stream.linear.scatter [tilespmem:s15], [sflag:$0x2], $0x4000, $0x38;
	[tilespmem:$0x10200] =	vst v63  }
0x62: {  	_ =	swait.ge [sflag:s20], $0x4000  }
0x63: {  	[sflag:s20] =	ssyncset.done $0x0  }
0x64: {  	[sflag:s20] =	ssyncadd.s32 $0xFFFFC000  }
0x65: {  	_ =	swait.ge [sflag:s20], $0x4000  }
0x66: {  	[sflag:s20] =	ssyncset.done $0x0  }
0x67: {  	[sflag:s20] =	ssyncadd.s32 $0xFFFFC000  }
.Ltmp1:
0x68: {  	_ =	swait.ge [sflag:s20], $0x4000;
	(pc) =	sbr.rel @p0 .LBB2_1-.Ltmp1, $4  }
0x69: {  	[sflag:s20] =	ssyncset.done $0x0  }
0x6a: {  	[sflag:s20] =	ssyncadd.s32 $0xFFFFC000  }
0x6b: {  	_ =	swait.ge [sflag:s20], $0x4000  }
0x6c: {  	[sflag:s20] =	ssyncset.done $0x0  }
.LBB2_2:
0x6d: {  	[sflag:s20] =	ssyncadd.s32 $0xFFFFC000  }
0x6e: {  	_ =	sfence.sel $0x180000  }
0x6f: {  	[bflag:$0x0] =	sbarrier.arrive $0xFFFF  }
0x70: {  	p0 =	sne.s32 s0, $0x0;
	_ =	strace $0x90000047  }
0x71: {  	s0 =	sadd.s32 @!p0 $0x100000, s2;
	[bflag:$0x2] =	sbarrier.arrive $0xFFFF  }
0x72: {  	[sflag:s0] =	ssyncadd.tile.s32 @!p0 $0x1;
	_ =	shalt  }
.Lfunc_end2:
_tile_overlayer_lowered:
.L_overlay_start_2:
0x73: {  	(tag) =	ssettag $0x2  }
0x74: {  	s0 =	rddreg [dreg:$0x0];
	s2 =	stileid.u32  }
0x75: {  	s1 =	rddreg [dreg:$0x1];
	p0 =	sne.s32 s2, $0x0  }
0x76: {  	s3 =	rddreg [dreg:$0x2];
	[bflag:$0x3] =	sbarrier.arrive $0xFFFF;
	s2 =	simm.s32 @!p0 $0x1C03  }
0x77: {  	[timem:s3], [sflag:s2] =	dma.local @!p0 [hbm:s0], s1  }
0x78: {  	s0 =	simm.s32 @!p0 $0x3  }
0x79: {  	_ =	swait.ge @!p0 [sflag:s0], s1  }
0x7a: {  	s1 =	ssub.s32 @!p0 $0x0, s1;
	[sflag:s0] =	ssyncset.done @!p0 $0x0  }
0x7b: {  	[sflag:s0] =	ssyncadd.s32 @!p0 s1  }
0x7c: {  	[bflag:$0x3] =	sbarrier.arrive $0xFFFF  }
0x7d: {  	_ =	shalt  }

</sc_bundles>
